<compile_context>
chip_gen: v7x
topology: tpu7x:2x2x1
jax: 0.10.2.dev20260603
libtpu: 0.0.44.dev20260713+nightly
codegen_flags: <defaults>
</compile_context>

<pallas_src>
import functools

import jax
import jax.numpy as jnp
from jax import lax
from jax.experimental import pallas as pl
from jax.experimental.pallas import tpu as pltpu
from jax.experimental.pallas import tpu_sc as plsc

DH = 128
CHUNK = 128
NUM_TILES = 16
NUM_CORES = 2
GRP = 8


def _sc_aggregate(xh, src0, src1, dstp, n_nodes, n_groups):
    rows_per_tile = n_nodes // NUM_TILES
    mesh = plsc.VectorSubcoreMesh(core_axis_name="c", subcore_axis_name="s")

    @functools.partial(
        pl.kernel,
        mesh=mesh,
        out_type=jax.ShapeDtypeStruct((2 * n_nodes, DH), jnp.float32),
        scratch_types=[
            pltpu.VMEM_SHARED((n_nodes, DH), jnp.float32),
            pltpu.VMEM((2, GRP, CHUNK), jnp.int32),
            pltpu.VMEM((2, GRP, CHUNK), jnp.int32),
            pltpu.VMEM((2, CHUNK, DH), jnp.float32),
            pltpu.SemaphoreType.DMA,
            pltpu.SemaphoreType.DMA,
            pltpu.SemaphoreType.DMA,
        ],
    )
    def body(xh_hbm, src0_hbm, src1_hbm, dst_hbm, out_hbm,
             acc, isrc, idst, rows, semi, semg, sems):
        c = lax.axis_index("c")
        s = lax.axis_index("s")

        def idx_fire(g, p):
            @pl.when(c == 0)
            def _():
                pltpu.async_copy(src0_hbm.at[s, pl.ds(g * GRP, GRP)],
                                 isrc.at[p], semi)

            @pl.when(c != 0)
            def _():
                pltpu.async_copy(src1_hbm.at[s, pl.ds(g * GRP, GRP)],
                                 isrc.at[p], semi)

            pltpu.async_copy(dst_hbm.at[s, pl.ds(g * GRP, GRP)],
                             idst.at[p], semi)

        def idx_wait(g, p):
            pltpu.make_async_copy(src0_hbm.at[s, pl.ds(g * GRP, GRP)],
                                  isrc.at[p], semi).wait()
            pltpu.make_async_copy(dst_hbm.at[s, pl.ds(g * GRP, GRP)],
                                  idst.at[p], semi).wait()

        def gather(p, b, r):
            return pltpu.async_copy(xh_hbm.at[isrc.at[p, b]], rows.at[r],
                                    semg)

        def scat(p, b, r):
            return pltpu.async_copy(rows.at[r], acc.at[idst.at[p, b]], sems,
                                    add=True)

        def scat_wait(p, b, r):
            pltpu.make_async_copy(rows.at[r], acc.at[idst.at[p, b]],
                                  sems).wait()

        def gwait(p, b, r):
            pltpu.make_async_copy(xh_hbm.at[isrc.at[p, b]], rows.at[r],
                                  semg).wait()

        def group(g, p):
            idx_wait(g, p)
            gather(p, 0, 0)
            for b in range(GRP):
                r = b % 2
                if b + 1 < GRP:
                    if b >= 1:
                        scat_wait(p, b - 1, 1 - r)
                    gather(p, b + 1, 1 - r)
                gwait(p, b, r)
                scat(p, b, r)
            scat_wait(p, GRP - 2, 0)
            scat_wait(p, GRP - 1, 1)

            @pl.when(g + 2 < n_groups)
            def _():
                idx_fire(g + 2, p)

        r0 = s * rows_per_tile
        init_cp = pltpu.async_copy(
            xh_hbm.at[pl.ds(c * n_nodes + r0, rows_per_tile)],
            acc.at[pl.ds(r0, rows_per_tile)],
            semg,
        )
        idx_fire(0, 0)
        idx_fire(1, 1)
        init_cp.wait()
        plsc.subcore_barrier()

        def pair_body(g2, carry):
            group(2 * g2, 0)
            group(2 * g2 + 1, 1)
            return carry

        lax.fori_loop(0, n_groups // 2, pair_body, 0)
        plsc.subcore_barrier()

        pltpu.sync_copy(
            acc.at[pl.ds(r0, rows_per_tile)],
            out_hbm.at[pl.ds(c * n_nodes + r0, rows_per_tile)],
        )

    return body(xh, src0, src1, dstp)


def _tc_matmul(x, a0, a1, w):
    n, d = x.shape
    bm = 1000
    grid = (n // bm,)

    def mm_body(x_ref, a0_ref, a1_ref, w_ref, o_ref):
        xb = x_ref[...]
        xa0 = a0_ref[...] + 0.5 * xb[:, :DH]
        xa1 = a1_ref[...] + 0.5 * xb[:, DH:]
        o_ref[...] = jnp.dot(
            xa0, w_ref[:DH, :], preferred_element_type=jnp.float32
        ) + jnp.dot(xa1, w_ref[DH:, :], preferred_element_type=jnp.float32)

    return pl.pallas_call(
        mm_body,
        grid=grid,
        in_specs=[
            pl.BlockSpec((bm, d), lambda i: (i, 0)),
            pl.BlockSpec((bm, DH), lambda i: (i, 0)),
            pl.BlockSpec((bm, DH), lambda i: (i, 0)),
            pl.BlockSpec((d, d), lambda i: (0, 0)),
        ],
        out_specs=pl.BlockSpec((bm, d), lambda i: (i, 0)),
        out_shape=jax.ShapeDtypeStruct((n, d), jnp.float32),
    )(x, a0, a1, w)


def kernel(x, edge_index, W):
    n, d = x.shape
    e = edge_index.shape[1]
    src = edge_index[0].astype(jnp.int32)
    dst = edge_index[1].astype(jnp.int32)

    rstep = NUM_TILES * 8
    np_ = ((n + rstep - 1) // rstep) * rstep + rstep
    xp = jnp.concatenate([x, jnp.zeros((np_ - n, d), jnp.float32)])
    xh = xp.reshape(np_, 2, DH).swapaxes(0, 1).reshape(2 * np_, DH)

    step = NUM_TILES * 2 * GRP * CHUNK
    e_pad = ((e + step - 1) // step) * step
    n_groups = e_pad // (NUM_TILES * GRP * CHUNK)
    n_chunks = n_groups * GRP
    pad = e_pad - e
    src0 = jnp.concatenate([src, jnp.zeros((pad,), jnp.int32)])
    src1 = src0 + np_
    dstp = jnp.concatenate([dst, jnp.full((pad,), n, jnp.int32)])
    shp = (NUM_TILES, n_chunks, CHUNK)

    acch = _sc_aggregate(xh, src0.reshape(shp), src1.reshape(shp),
                         dstp.reshape(shp), np_, n_groups)
    return _tc_matmul(x, acch[:n], acch[np_:np_ + n], W)

# --- scband reference (transcript-rebuilt; emitter-appended) ---
"""Pipeline reference for scband-ginconv-18141941859012 (READ-ONLY COPY).

The authoritative reference and input builder live on the scoring server;
editing this copy changes nothing except your own understanding.
"""

import jax, jax.numpy as jnp
import numpy as np

N_NODES = 10000
N_EDGES = 160000
D_IN = 256
D_OUT = 256
EPSILON = 0.5


def setup_inputs(seed: int = 0) -> dict:
    key = jax.random.key(seed)
    k1, k2, k3 = jax.random.split(key, 3)
    x = jax.random.normal(k1, (N_NODES, D_IN), dtype=jnp.float32)
    edge_index = jax.random.randint(k2, (2, N_EDGES), 0, N_NODES, dtype=jnp.int64)
    # weight initialized uniform(-stdv, stdv) with stdv = 1/sqrt(output_dim), per reset_parameters
    stdv = 1.0 / np.sqrt(D_OUT)
    W = jax.random.uniform(k3, (D_IN, D_OUT), dtype=jnp.float32, minval=-stdv, maxval=stdv)
    return {"x": x, "edge_index": edge_index, "W": W}


def reference(x, edge_index, W):
    # GIN aggregation: X_agg = (1 + eps) * X + sum_{j in N(i)} X_j
    # (custom CUDA kernel forward_gin over CSR, expressed here as edge-list scatter-add)
    src = edge_index[0]
    dst = edge_index[1]
    messages = jnp.take(x, src, axis=0)              # gather neighbor features [E, D]
    agg = jax.ops.segment_sum(messages, dst, num_segments=x.shape[0])  # scatter-add to dst nodes
    x_agg = (1.0 + EPSILON) * x + agg
    # X_prime = X_agg @ W
    x_prime = x_agg @ W
    return x_prime

if __name__ == "__main__":
    import jax
    _d = setup_inputs()
    print(jax.jit(kernel)(*tuple(_d.values())))

</pallas_src>

<mosaic_0001>
#map = affine_map<(d0, d1) -> (0, 0)>
#map1 = affine_map<(d0, d1) -> (0, 0, 0)>
module attributes {stable_mosaic.version = 14 : i64} {
  func.func @body(%arg0: i32, %arg1: i32, %arg2: memref<20480x128xf32, #tpu.memory_space<hbm>>, %arg3: memref<16x80x128xi32, #tpu.memory_space<hbm>>, %arg4: memref<16x80x128xi32, #tpu.memory_space<hbm>>, %arg5: memref<16x80x128xi32, #tpu.memory_space<hbm>>, %arg6: memref<20480x128xf32, #tpu.memory_space<hbm>>, %arg7: memref<10240x128xf32, #tpu.memory_space<vmem_shared>>, %arg8: memref<2x8x128xi32, #tpu.memory_space<vmem>>, %arg9: memref<2x8x128xi32, #tpu.memory_space<vmem>>, %arg10: memref<2x128x128xf32, #tpu.memory_space<vmem>>, %arg11: memref<!tpu.dma_semaphore, #tpu.memory_space<semaphore_mem>>, %arg12: memref<!tpu.dma_semaphore, #tpu.memory_space<semaphore_mem>>, %arg13: memref<!tpu.dma_semaphore, #tpu.memory_space<semaphore_mem>>) attributes {dimension_semantics = [#tpu.dimension_semantics<core_parallel>, #tpu.dimension_semantics<subcore_parallel>], iteration_bounds = array<i64: 2, 16>, scalar_prefetch = 0 : i64, scratch_operands = 7 : i64, tpu.core_type = #tpu.core_type<sc_vector_subcore>, window_params = [{transform_indices = #map}, {transform_indices = #map1}, {transform_indices = #map1}, {transform_indices = #map1}, {transform_indices = #map}]} {
    %mul3A = arith.constant 640 : i32
    %mul3A_0 = arith.muli %arg1, %mul3A : i32
    %mul3A_1 = arith.constant 10240 : i32
    %mul3A_2 = arith.muli %arg0, %mul3A_1 : i32
    %add3A = arith.addi %mul3A_2, %mul3A_0 : i32
    %dma_start3A = arith.constant 0 : i32
    %dma_start3A_3 = tpu.memref_slice %arg7[%mul3A_0, %dma_start3A] : memref<10240x128xf32, #tpu.memory_space<vmem_shared>> -> memref<640x128xf32, #tpu.memory_space<vmem_shared>>
    %dma_start3A_4 = arith.constant 0 : i32
    %dma_start3A_5 = tpu.memref_slice %arg2[%add3A, %dma_start3A_4] : memref<20480x128xf32, #tpu.memory_space<hbm>> -> memref<640x128xf32, #tpu.memory_space<hbm>>
    tpu.enqueue_dma source(%dma_start3A_5 : memref<640x128xf32, #tpu.memory_space<hbm>>) target(%dma_start3A_3 : memref<640x128xf32, #tpu.memory_space<vmem_shared>>) target_semaphore(%arg12 : memref<!tpu.dma_semaphore, #tpu.memory_space<semaphore_mem>>)
    %eq3A = arith.constant 0 : i32
    %eq3A_6 = arith.cmpi eq, %arg0, %eq3A : i32
    %convert_element_type3A = arith.extui %eq3A_6 : i1 to i32
    %cond3A = arith.constant 0 : i32
    %cond3A_7 = arith.cmpi ne, %convert_element_type3A, %cond3A : i32
    scf.if %cond3A_7 {
      %dma_start3A_68 = arith.constant 0 : i32
      %dma_start3A_69 = arith.constant 0 : i32
      %dma_start3A_70 = arith.constant 0 : i32
      %dma_start3A_71 = tpu.memref_slice %arg8[%dma_start3A_68, %dma_start3A_69, %dma_start3A_70] : memref<2x8x128xi32, #tpu.memory_space<vmem>> -> memref<1x8x128xi32, #tpu.memory_space<vmem>>
      %dma_start3A_72 = tpu.memref_squeeze %dma_start3A_71 : memref<1x8x128xi32, #tpu.memory_space<vmem>> -> memref<8x128xi32, #tpu.memory_space<vmem>>
      %dma_start3A_73 = arith.constant 0 : i32
      %dma_start3A_74 = arith.constant 0 : i32
      %dma_start3A_75 = tpu.memref_slice %arg3[%arg1, %dma_start3A_73, %dma_start3A_74] : memref<16x80x128xi32, #tpu.memory_space<hbm>> -> memref<1x8x128xi32, #tpu.memory_space<hbm>>
      %dma_start3A_76 = tpu.memref_squeeze %dma_start3A_75 : memref<1x8x128xi32, #tpu.memory_space<hbm>> -> memref<8x128xi32, #tpu.memory_space<hbm>>
      %dma_start3A_77 = arith.constant 0 : i32
      %dma_start3A_78 = arith.constant 0 : i32
      %dma_start3A_79 = tpu.memref_slice %arg8[%dma_start3A_68, %dma_start3A_77, %dma_start3A_78] : memref<2x8x128xi32, #tpu.memory_space<vmem>> -> memref<1x8x128xi32, #tpu.memory_space<vmem>>
      %dma_start3A_80 = tpu.memref_squeeze %dma_start3A_79 : memref<1x8x128xi32, #tpu.memory_space<vmem>> -> memref<8x128xi32, #tpu.memory_space<vmem>>
      %dma_start3A_81 = arith.constant 0 : i32
      %dma_start3A_82 = arith.constant 0 : i32
      %dma_start3A_83 = tpu.memref_slice %arg3[%arg1, %dma_start3A_81, %dma_start3A_82] : memref<16x80x128xi32, #tpu.memory_space<hbm>> -> memref<1x8x128xi32, #tpu.memory_space<hbm>>
      %dma_start3A_84 = tpu.memref_squeeze %dma_start3A_83 : memref<1x8x128xi32, #tpu.memory_space<hbm>> -> memref<8x128xi32, #tpu.memory_space<hbm>>
      tpu.enqueue_dma source(%dma_start3A_84 : memref<8x128xi32, #tpu.memory_space<hbm>>) target(%dma_start3A_80 : memref<8x128xi32, #tpu.memory_space<vmem>>) target_semaphore(%arg11 : memref<!tpu.dma_semaphore, #tpu.memory_space<semaphore_mem>>)
    } else {
    }
    %ne3A = arith.constant 0 : i32
    %ne3A_8 = arith.cmpi ne, %arg0, %ne3A : i32
    %convert_element_type3A_9 = arith.extui %ne3A_8 : i1 to i32
    %cond3A_10 = arith.constant 0 : i32
    %cond3A_11 = arith.cmpi ne, %convert_element_type3A_9, %cond3A_10 : i32
    scf.if %cond3A_11 {
      %dma_start3A_68 = arith.constant 0 : i32
      %dma_start3A_69 = arith.constant 0 : i32
      %dma_start3A_70 = arith.constant 0 : i32
      %dma_start3A_71 = tpu.memref_slice %arg8[%dma_start3A_68, %dma_start3A_69, %dma_start3A_70] : memref<2x8x128xi32, #tpu.memory_space<vmem>> -> memref<1x8x128xi32, #tpu.memory_space<vmem>>
      %dma_start3A_72 = tpu.memref_squeeze %dma_start3A_71 : memref<1x8x128xi32, #tpu.memory_space<vmem>> -> memref<8x128xi32, #tpu.memory_space<vmem>>
      %dma_start3A_73 = arith.constant 0 : i32
      %dma_start3A_74 = arith.constant 0 : i32
      %dma_start3A_75 = tpu.memref_slice %arg4[%arg1, %dma_start3A_73, %dma_start3A_74] : memref<16x80x128xi32, #tpu.memory_space<hbm>> -> memref<1x8x128xi32, #tpu.memory_space<hbm>>
      %dma_start3A_76 = tpu.memref_squeeze %dma_start3A_75 : memref<1x8x128xi32, #tpu.memory_space<hbm>> -> memref<8x128xi32, #tpu.memory_space<hbm>>
      %dma_start3A_77 = arith.constant 0 : i32
      %dma_start3A_78 = arith.constant 0 : i32
      %dma_start3A_79 = tpu.memref_slice %arg8[%dma_start3A_68, %dma_start3A_77, %dma_start3A_78] : memref<2x8x128xi32, #tpu.memory_space<vmem>> -> memref<1x8x128xi32, #tpu.memory_space<vmem>>
      %dma_start3A_80 = tpu.memref_squeeze %dma_start3A_79 : memref<1x8x128xi32, #tpu.memory_space<vmem>> -> memref<8x128xi32, #tpu.memory_space<vmem>>
      %dma_start3A_81 = arith.constant 0 : i32
      %dma_start3A_82 = arith.constant 0 : i32
      %dma_start3A_83 = tpu.memref_slice %arg4[%arg1, %dma_start3A_81, %dma_start3A_82] : memref<16x80x128xi32, #tpu.memory_space<hbm>> -> memref<1x8x128xi32, #tpu.memory_space<hbm>>
      %dma_start3A_84 = tpu.memref_squeeze %dma_start3A_83 : memref<1x8x128xi32, #tpu.memory_space<hbm>> -> memref<8x128xi32, #tpu.memory_space<hbm>>
      tpu.enqueue_dma source(%dma_start3A_84 : memref<8x128xi32, #tpu.memory_space<hbm>>) target(%dma_start3A_80 : memref<8x128xi32, #tpu.memory_space<vmem>>) target_semaphore(%arg11 : memref<!tpu.dma_semaphore, #tpu.memory_space<semaphore_mem>>)
    } else {
    }
    %dma_start3A_12 = arith.constant 0 : i32
    %dma_start3A_13 = arith.constant 0 : i32
    %dma_start3A_14 = arith.constant 0 : i32
    %dma_start3A_15 = tpu.memref_slice %arg9[%dma_start3A_12, %dma_start3A_13, %dma_start3A_14] : memref<2x8x128xi32, #tpu.memory_space<vmem>> -> memref<1x8x128xi32, #tpu.memory_space<vmem>>
    %dma_start3A_16 = tpu.memref_squeeze %dma_start3A_15 : memref<1x8x128xi32, #tpu.memory_space<vmem>> -> memref<8x128xi32, #tpu.memory_space<vmem>>
    %dma_start3A_17 = arith.constant 0 : i32
    %dma_start3A_18 = arith.constant 0 : i32
    %dma_start3A_19 = tpu.memref_slice %arg5[%arg1, %dma_start3A_17, %dma_start3A_18] : memref<16x80x128xi32, #tpu.memory_space<hbm>> -> memref<1x8x128xi32, #tpu.memory_space<hbm>>
    %dma_start3A_20 = tpu.memref_squeeze %dma_start3A_19 : memref<1x8x128xi32, #tpu.memory_space<hbm>> -> memref<8x128xi32, #tpu.memory_space<hbm>>
    %dma_start3A_21 = arith.constant 0 : i32
    %dma_start3A_22 = arith.constant 0 : i32
    %dma_start3A_23 = tpu.memref_slice %arg9[%dma_start3A_12, %dma_start3A_21, %dma_start3A_22] : memref<2x8x128xi32, #tpu.memory_space<vmem>> -> memref<1x8x128xi32, #tpu.memory_space<vmem>>
    %dma_start3A_24 = tpu.memref_squeeze %dma_start3A_23 : memref<1x8x128xi32, #tpu.memory_space<vmem>> -> memref<8x128xi32, #tpu.memory_space<vmem>>
    %dma_start3A_25 = arith.constant 0 : i32
    %dma_start3A_26 = arith.constant 0 : i32
    %dma_start3A_27 = tpu.memref_slice %arg5[%arg1, %dma_start3A_25, %dma_start3A_26] : memref<16x80x128xi32, #tpu.memory_space<hbm>> -> memref<1x8x128xi32, #tpu.memory_space<hbm>>
    %dma_start3A_28 = tpu.memref_squeeze %dma_start3A_27 : memref<1x8x128xi32, #tpu.memory_space<hbm>> -> memref<8x128xi32, #tpu.memory_space<hbm>>
    tpu.enqueue_dma source(%dma_start3A_28 : memref<8x128xi32, #tpu.memory_space<hbm>>) target(%dma_start3A_24 : memref<8x128xi32, #tpu.memory_space<vmem>>) target_semaphore(%arg11 : memref<!tpu.dma_semaphore, #tpu.memory_space<semaphore_mem>>)
    %eq3A_29 = arith.constant 0 : i32
    %eq3A_30 = arith.cmpi eq, %arg0, %eq3A_29 : i32
    %convert_element_type3A_31 = arith.extui %eq3A_30 : i1 to i32
    %cond3A_32 = arith.constant 0 : i32
    %cond3A_33 = arith.cmpi ne, %convert_element_type3A_31, %cond3A_32 : i32
    scf.if %cond3A_33 {
      %dma_start3A_68 = arith.constant 1 : i32
      %dma_start3A_69 = arith.constant 0 : i32
      %dma_start3A_70 = arith.constant 0 : i32
      %dma_start3A_71 = tpu.memref_slice %arg8[%dma_start3A_68, %dma_start3A_69, %dma_start3A_70] : memref<2x8x128xi32, #tpu.memory_space<vmem>> -> memref<1x8x128xi32, #tpu.memory_space<vmem>>
      %dma_start3A_72 = tpu.memref_squeeze %dma_start3A_71 : memref<1x8x128xi32, #tpu.memory_space<vmem>> -> memref<8x128xi32, #tpu.memory_space<vmem>>
      %dma_start3A_73 = arith.constant 8 : i32
      %dma_start3A_74 = arith.constant 0 : i32
      %dma_start3A_75 = tpu.memref_slice %arg3[%arg1, %dma_start3A_73, %dma_start3A_74] : memref<16x80x128xi32, #tpu.memory_space<hbm>> -> memref<1x8x128xi32, #tpu.memory_space<hbm>>
      %dma_start3A_76 = tpu.memref_squeeze %dma_start3A_75 : memref<1x8x128xi32, #tpu.memory_space<hbm>> -> memref<8x128xi32, #tpu.memory_space<hbm>>
      %dma_start3A_77 = arith.constant 0 : i32
      %dma_start3A_78 = arith.constant 0 : i32
      %dma_start3A_79 = tpu.memref_slice %arg8[%dma_start3A_68, %dma_start3A_77, %dma_start3A_78] : memref<2x8x128xi32, #tpu.memory_space<vmem>> -> memref<1x8x128xi32, #tpu.memory_space<vmem>>
      %dma_start3A_80 = tpu.memref_squeeze %dma_start3A_79 : memref<1x8x128xi32, #tpu.memory_space<vmem>> -> memref<8x128xi32, #tpu.memory_space<vmem>>
      %dma_start3A_81 = arith.constant 8 : i32
      %dma_start3A_82 = arith.constant 0 : i32
      %dma_start3A_83 = tpu.memref_slice %arg3[%arg1, %dma_start3A_81, %dma_start3A_82] : memref<16x80x128xi32, #tpu.memory_space<hbm>> -> memref<1x8x128xi32, #tpu.memory_space<hbm>>
      %dma_start3A_84 = tpu.memref_squeeze %dma_start3A_83 : memref<1x8x128xi32, #tpu.memory_space<hbm>> -> memref<8x128xi32, #tpu.memory_space<hbm>>
      tpu.enqueue_dma source(%dma_start3A_84 : memref<8x128xi32, #tpu.memory_space<hbm>>) target(%dma_start3A_80 : memref<8x128xi32, #tpu.memory_space<vmem>>) target_semaphore(%arg11 : memref<!tpu.dma_semaphore, #tpu.memory_space<semaphore_mem>>)
    } else {
    }
    %ne3A_34 = arith.constant 0 : i32
    %ne3A_35 = arith.cmpi ne, %arg0, %ne3A_34 : i32
    %convert_element_type3A_36 = arith.extui %ne3A_35 : i1 to i32
    %cond3A_37 = arith.constant 0 : i32
    %cond3A_38 = arith.cmpi ne, %convert_element_type3A_36, %cond3A_37 : i32
    scf.if %cond3A_38 {
      %dma_start3A_68 = arith.constant 1 : i32
      %dma_start3A_69 = arith.constant 0 : i32
      %dma_start3A_70 = arith.constant 0 : i32
      %dma_start3A_71 = tpu.memref_slice %arg8[%dma_start3A_68, %dma_start3A_69, %dma_start3A_70] : memref<2x8x128xi32, #tpu.memory_space<vmem>> -> memref<1x8x128xi32, #tpu.memory_space<vmem>>
      %dma_start3A_72 = tpu.memref_squeeze %dma_start3A_71 : memref<1x8x128xi32, #tpu.memory_space<vmem>> -> memref<8x128xi32, #tpu.memory_space<vmem>>
      %dma_start3A_73 = arith.constant 8 : i32
      %dma_start3A_74 = arith.constant 0 : i32
      %dma_start3A_75 = tpu.memref_slice %arg4[%arg1, %dma_start3A_73, %dma_start3A_74] : memref<16x80x128xi32, #tpu.memory_space<hbm>> -> memref<1x8x128xi32, #tpu.memory_space<hbm>>
      %dma_start3A_76 = tpu.memref_squeeze %dma_start3A_75 : memref<1x8x128xi32, #tpu.memory_space<hbm>> -> memref<8x128xi32, #tpu.memory_space<hbm>>
      %dma_start3A_77 = arith.constant 0 : i32
      %dma_start3A_78 = arith.constant 0 : i32
      %dma_start3A_79 = tpu.memref_slice %arg8[%dma_start3A_68, %dma_start3A_77, %dma_start3A_78] : memref<2x8x128xi32, #tpu.memory_space<vmem>> -> memref<1x8x128xi32, #tpu.memory_space<vmem>>
      %dma_start3A_80 = tpu.memref_squeeze %dma_start3A_79 : memref<1x8x128xi32, #tpu.memory_space<vmem>> -> memref<8x128xi32, #tpu.memory_space<vmem>>
      %dma_start3A_81 = arith.constant 8 : i32
      %dma_start3A_82 = arith.constant 0 : i32
      %dma_start3A_83 = tpu.memref_slice %arg4[%arg1, %dma_start3A_81, %dma_start3A_82] : memref<16x80x128xi32, #tpu.memory_space<hbm>> -> memref<1x8x128xi32, #tpu.memory_space<hbm>>
      %dma_start3A_84 = tpu.memref_squeeze %dma_start3A_83 : memref<1x8x128xi32, #tpu.memory_space<hbm>> -> memref<8x128xi32, #tpu.memory_space<hbm>>
      tpu.enqueue_dma source(%dma_start3A_84 : memref<8x128xi32, #tpu.memory_space<hbm>>) target(%dma_start3A_80 : memref<8x128xi32, #tpu.memory_space<vmem>>) target_semaphore(%arg11 : memref<!tpu.dma_semaphore, #tpu.memory_space<semaphore_mem>>)
    } else {
    }
    %dma_start3A_39 = arith.constant 1 : i32
    %dma_start3A_40 = arith.constant 0 : i32
    %dma_start3A_41 = arith.constant 0 : i32
    %dma_start3A_42 = tpu.memref_slice %arg9[%dma_start3A_39, %dma_start3A_40, %dma_start3A_41] : memref<2x8x128xi32, #tpu.memory_space<vmem>> -> memref<1x8x128xi32, #tpu.memory_space<vmem>>
    %dma_start3A_43 = tpu.memref_squeeze %dma_start3A_42 : memref<1x8x128xi32, #tpu.memory_space<vmem>> -> memref<8x128xi32, #tpu.memory_space<vmem>>
    %dma_start3A_44 = arith.constant 8 : i32
    %dma_start3A_45 = arith.constant 0 : i32
    %dma_start3A_46 = tpu.memref_slice %arg5[%arg1, %dma_start3A_44, %dma_start3A_45] : memref<16x80x128xi32, #tpu.memory_space<hbm>> -> memref<1x8x128xi32, #tpu.memory_space<hbm>>
    %dma_start3A_47 = tpu.memref_squeeze %dma_start3A_46 : memref<1x8x128xi32, #tpu.memory_space<hbm>> -> memref<8x128xi32, #tpu.memory_space<hbm>>
    %dma_start3A_48 = arith.constant 0 : i32
    %dma_start3A_49 = arith.constant 0 : i32
    %dma_start3A_50 = tpu.memref_slice %arg9[%dma_start3A_39, %dma_start3A_48, %dma_start3A_49] : memref<2x8x128xi32, #tpu.memory_space<vmem>> -> memref<1x8x128xi32, #tpu.memory_space<vmem>>
    %dma_start3A_51 = tpu.memref_squeeze %dma_start3A_50 : memref<1x8x128xi32, #tpu.memory_space<vmem>> -> memref<8x128xi32, #tpu.memory_space<vmem>>
    %dma_start3A_52 = arith.constant 8 : i32
    %dma_start3A_53 = arith.constant 0 : i32
    %dma_start3A_54 = tpu.memref_slice %arg5[%arg1, %dma_start3A_52, %dma_start3A_53] : memref<16x80x128xi32, #tpu.memory_space<hbm>> -> memref<1x8x128xi32, #tpu.memory_space<hbm>>
    %dma_start3A_55 = tpu.memref_squeeze %dma_start3A_54 : memref<1x8x128xi32, #tpu.memory_space<hbm>> -> memref<8x128xi32, #tpu.memory_space<hbm>>
    tpu.enqueue_dma source(%dma_start3A_55 : memref<8x128xi32, #tpu.memory_space<hbm>>) target(%dma_start3A_51 : memref<8x128xi32, #tpu.memory_space<vmem>>) target_semaphore(%arg11 : memref<!tpu.dma_semaphore, #tpu.memory_space<semaphore_mem>>)
    %dma_wait3A = arith.constant 0 : i32
    %dma_wait3A_56 = tpu.memref_slice %arg7[%mul3A_0, %dma_wait3A] : memref<10240x128xf32, #tpu.memory_space<vmem_shared>> -> memref<640x128xf32, #tpu.memory_space<vmem_shared>>
    %dma_wait3A_57 = arith.constant 0 : i32
    %dma_wait3A_58 = tpu.memref_slice %arg2[%add3A, %dma_wait3A_57] : memref<20480x128xf32, #tpu.memory_space<hbm>> -> memref<640x128xf32, #tpu.memory_space<hbm>>
    tpu.wait_dma2 semaphore(%arg12 : memref<!tpu.dma_semaphore, #tpu.memory_space<semaphore_mem>>) src(%dma_wait3A_58 : memref<640x128xf32, #tpu.memory_space<hbm>>) dst(%dma_wait3A_56 : memref<640x128xf32, #tpu.memory_space<vmem_shared>>)
    %barrier3A = arith.constant 0 : index
    tpu.barrier barrier_id(%barrier3A)
    %scan3A = arith.constant 0 : i32
    %scan3A_59 = arith.constant 0 : i32
    %scan3A_60 = arith.constant 5 : i32
    %scan3A_61 = arith.addi %scan3A_59, %scan3A_60 : i32
    %scan3A_62 = arith.constant 1 : i32
    scf.for %scan3A_68 = %scan3A_59 to %scan3A_61 step %scan3A_62  : i32 {
      %mul3A_69 = arith.constant 2 : i32
      %mul3A_70 = arith.muli %mul3A_69, %scan3A_68 : i32
      %mul3A_71 = arith.constant 8 : i32
      %mul3A_72 = arith.muli %mul3A_70, %mul3A_71 : i32
      %dma_wait3A_73 = arith.constant 0 : i32
      %dma_wait3A_74 = arith.constant 0 : i32
      %dma_wait3A_75 = arith.constant 0 : i32
      %dma_wait3A_76 = tpu.memref_slice %arg8[%dma_wait3A_73, %dma_wait3A_74, %dma_wait3A_75] : memref<2x8x128xi32, #tpu.memory_space<vmem>> -> memref<1x8x128xi32, #tpu.memory_space<vmem>>
      %dma_wait3A_77 = tpu.memref_squeeze %dma_wait3A_76 : memref<1x8x128xi32, #tpu.memory_space<vmem>> -> memref<8x128xi32, #tpu.memory_space<vmem>>
      %dma_wait3A_78 = arith.constant 0 : i32
      %dma_wait3A_79 = tpu.memref_slice %arg3[%arg1, %mul3A_72, %dma_wait3A_78] : memref<16x80x128xi32, #tpu.memory_space<hbm>> -> memref<1x8x128xi32, #tpu.memory_space<hbm>>
      %dma_wait3A_80 = tpu.memref_squeeze %dma_wait3A_79 : memref<1x8x128xi32, #tpu.memory_space<hbm>> -> memref<8x128xi32, #tpu.memory_space<hbm>>
      %dma_wait3A_81 = arith.constant 0 : i32
      %dma_wait3A_82 = arith.constant 0 : i32
      %dma_wait3A_83 = tpu.memref_slice %arg8[%dma_wait3A_73, %dma_wait3A_81, %dma_wait3A_82] : memref<2x8x128xi32, #tpu.memory_space<vmem>> -> memref<1x8x128xi32, #tpu.memory_space<vmem>>
      %dma_wait3A_84 = tpu.memref_squeeze %dma_wait3A_83 : memref<1x8x128xi32, #tpu.memory_space<vmem>> -> memref<8x128xi32, #tpu.memory_space<vmem>>
      %dma_wait3A_85 = arith.constant 0 : i32
      %dma_wait3A_86 = tpu.memref_slice %arg3[%arg1, %mul3A_72, %dma_wait3A_85] : memref<16x80x128xi32, #tpu.memory_space<hbm>> -> memref<1x8x128xi32, #tpu.memory_space<hbm>>
      %dma_wait3A_87 = tpu.memref_squeeze %dma_wait3A_86 : memref<1x8x128xi32, #tpu.memory_space<hbm>> -> memref<8x128xi32, #tpu.memory_space<hbm>>
      tpu.wait_dma2 semaphore(%arg11 : memref<!tpu.dma_semaphore, #tpu.memory_space<semaphore_mem>>) src(%dma_wait3A_87 : memref<8x128xi32, #tpu.memory_space<hbm>>) dst(%dma_wait3A_84 : memref<8x128xi32, #tpu.memory_space<vmem>>)
      %mul3A_88 = arith.constant 8 : i32
      %mul3A_89 = arith.muli %mul3A_70, %mul3A_88 : i32
      %dma_wait3A_90 = arith.constant 0 : i32
      %dma_wait3A_91 = arith.constant 0 : i32
      %dma_wait3A_92 = arith.constant 0 : i32
      %dma_wait3A_93 = tpu.memref_slice %arg9[%dma_wait3A_90, %dma_wait3A_91, %dma_wait3A_92] : memref<2x8x128xi32, #tpu.memory_space<vmem>> -> memref<1x8x128xi32, #tpu.memory_space<vmem>>
      %dma_wait3A_94 = tpu.memref_squeeze %dma_wait3A_93 : memref<1x8x128xi32, #tpu.memory_space<vmem>> -> memref<8x128xi32, #tpu.memory_space<vmem>>
      %dma_wait3A_95 = arith.constant 0 : i32
      %dma_wait3A_96 = tpu.memref_slice %arg5[%arg1, %mul3A_89, %dma_wait3A_95] : memref<16x80x128xi32, #tpu.memory_space<hbm>> -> memref<1x8x128xi32, #tpu.memory_space<hbm>>
      %dma_wait3A_97 = tpu.memref_squeeze %dma_wait3A_96 : memref<1x8x128xi32, #tpu.memory_space<hbm>> -> memref<8x128xi32, #tpu.memory_space<hbm>>
      %dma_wait3A_98 = arith.constant 0 : i32
      %dma_wait3A_99 = arith.constant 0 : i32
      %dma_wait3A_100 = tpu.memref_slice %arg9[%dma_wait3A_90, %dma_wait3A_98, %dma_wait3A_99] : memref<2x8x128xi32, #tpu.memory_space<vmem>> -> memref<1x8x128xi32, #tpu.memory_space<vmem>>
      %dma_wait3A_101 = tpu.memref_squeeze %dma_wait3A_100 : memref<1x8x128xi32, #tpu.memory_space<vmem>> -> memref<8x128xi32, #tpu.memory_space<vmem>>
      %dma_wait3A_102 = arith.constant 0 : i32
      %dma_wait3A_103 = tpu.memref_slice %arg5[%arg1, %mul3A_89, %dma_wait3A_102] : memref<16x80x128xi32, #tpu.memory_space<hbm>> -> memref<1x8x128xi32, #tpu.memory_space<hbm>>
      %dma_wait3A_104 = tpu.memref_squeeze %dma_wait3A_103 : memref<1x8x128xi32, #tpu.memory_space<hbm>> -> memref<8x128xi32, #tpu.memory_space<hbm>>
      tpu.wait_dma2 semaphore(%arg11 : memref<!tpu.dma_semaphore, #tpu.memory_space<semaphore_mem>>) src(%dma_wait3A_104 : memref<8x128xi32, #tpu.memory_space<hbm>>) dst(%dma_wait3A_101 : memref<8x128xi32, #tpu.memory_space<vmem>>)
      %dma_start3A_105 = arith.constant 0 : i32
      %dma_start3A_106 = arith.constant 0 : i32
      %dma_start3A_107 = arith.constant 0 : i32
      %dma_start3A_108 = arith.constant 0 : i32
      %dma_start3A_109 = arith.constant 0 : i32
      %dma_start3A_110 = tpu.memref_slice %arg10[%dma_start3A_107, %dma_start3A_108, %dma_start3A_109] : memref<2x128x128xf32, #tpu.memory_space<vmem>> -> memref<1x128x128xf32, #tpu.memory_space<vmem>>
      %dma_start3A_111 = tpu.memref_squeeze %dma_start3A_110 : memref<1x128x128xf32, #tpu.memory_space<vmem>> -> memref<128x128xf32, #tpu.memory_space<vmem>>
      %dma_start3A_112 = arith.constant 0 : i32
      %dma_start3A_113 = tpu.memref_slice %arg8[%dma_start3A_105, %dma_start3A_106, %dma_start3A_112] : memref<2x8x128xi32, #tpu.memory_space<vmem>> -> memref<1x1x128xi32, #tpu.memory_space<vmem>>
      %dma_start3A_114 = tpu.memref_squeeze %dma_start3A_113 : memref<1x1x128xi32, #tpu.memory_space<vmem>> -> memref<128xi32, #tpu.memory_space<vmem>>
      %dma_start3A_115 = arith.constant 0 : i32
      %dma_start3A_116 = arith.constant 0 : i32
      %dma_start3A_117 = tpu.memref_slice %arg2[%dma_start3A_115, %dma_start3A_116] : memref<20480x128xf32, #tpu.memory_space<hbm>> -> memref<20480x128xf32, #tpu.memory_space<hbm>>
      tpu.enqueue_indirect_dma source(%dma_start3A_117 : memref<20480x128xf32, #tpu.memory_space<hbm>>) target(%dma_start3A_111 : memref<128x128xf32, #tpu.memory_space<vmem>>) offsets(%dma_start3A_114 : memref<128xi32, #tpu.memory_space<vmem>>) semaphore(%arg12 : memref<!tpu.dma_semaphore, #tpu.memory_space<semaphore_mem>>)
      %dma_start3A_118 = arith.constant 0 : i32
      %dma_start3A_119 = arith.constant 1 : i32
      %dma_start3A_120 = arith.constant 1 : i32
      %dma_start3A_121 = arith.constant 0 : i32
      %dma_start3A_122 = arith.constant 0 : i32
      %dma_start3A_123 = tpu.memref_slice %arg10[%dma_start3A_120, %dma_start3A_121, %dma_start3A_122] : memref<2x128x128xf32, #tpu.memory_space<vmem>> -> memref<1x128x128xf32, #tpu.memory_space<vmem>>
      %dma_start3A_124 = tpu.memref_squeeze %dma_start3A_123 : memref<1x128x128xf32, #tpu.memory_space<vmem>> -> memref<128x128xf32, #tpu.memory_space<vmem>>
      %dma_start3A_125 = arith.constant 0 : i32
      %dma_start3A_126 = tpu.memref_slice %arg8[%dma_start3A_118, %dma_start3A_119, %dma_start3A_125] : memref<2x8x128xi32, #tpu.memory_space<vmem>> -> memref<1x1x128xi32, #tpu.memory_space<vmem>>
      %dma_start3A_127 = tpu.memref_squeeze %dma_start3A_126 : memref<1x1x128xi32, #tpu.memory_space<vmem>> -> memref<128xi32, #tpu.memory_space<vmem>>
      %dma_start3A_128 = arith.constant 0 : i32
      %dma_start3A_129 = arith.constant 0 : i32
      %dma_start3A_130 = tpu.memref_slice %arg2[%dma_start3A_128, %dma_start3A_129] : memref<20480x128xf32, #tpu.memory_space<hbm>> -> memref<20480x128xf32, #tpu.memory_space<hbm>>
      tpu.enqueue_indirect_dma source(%dma_start3A_130 : memref<20480x128xf32, #tpu.memory_space<hbm>>) target(%dma_start3A_124 : memref<128x128xf32, #tpu.memory_space<vmem>>) offsets(%dma_start3A_127 : memref<128xi32, #tpu.memory_space<vmem>>) semaphore(%arg12 : memref<!tpu.dma_semaphore, #tpu.memory_space<semaphore_mem>>)
      %dma_wait3A_131 = arith.constant 0 : i32
      %dma_wait3A_132 = arith.constant 0 : i32
      %dma_wait3A_133 = arith.constant 0 : i32
      %dma_wait3A_134 = arith.constant 0 : i32
      %dma_wait3A_135 = arith.constant 0 : i32
      %dma_wait3A_136 = tpu.memref_slice %arg10[%dma_wait3A_133, %dma_wait3A_134, %dma_wait3A_135] : memref<2x128x128xf32, #tpu.memory_space<vmem>> -> memref<1x128x128xf32, #tpu.memory_space<vmem>>
      %dma_wait3A_137 = tpu.memref_squeeze %dma_wait3A_136 : memref<1x128x128xf32, #tpu.memory_space<vmem>> -> memref<128x128xf32, #tpu.memory_space<vmem>>
      %dma_wait3A_138 = arith.constant 0 : i32
      %dma_wait3A_139 = tpu.memref_slice %arg8[%dma_wait3A_131, %dma_wait3A_132, %dma_wait3A_138] : memref<2x8x128xi32, #tpu.memory_space<vmem>> -> memref<1x1x128xi32, #tpu.memory_space<vmem>>
      %dma_wait3A_140 = tpu.memref_squeeze %dma_wait3A_139 : memref<1x1x128xi32, #tpu.memory_space<vmem>> -> memref<128xi32, #tpu.memory_space<vmem>>
      %dma_wait3A_141 = arith.constant 0 : i32
      %dma_wait3A_142 = arith.constant 0 : i32
      %dma_wait3A_143 = tpu.memref_slice %arg2[%dma_wait3A_141, %dma_wait3A_142] : memref<20480x128xf32, #tpu.memory_space<hbm>> -> memref<20480x128xf32, #tpu.memory_space<hbm>>
      tpu.wait_indirect_dma semaphore(%arg12 : memref<!tpu.dma_semaphore, #tpu.memory_space<semaphore_mem>>) src(%dma_wait3A_143 : memref<20480x128xf32, #tpu.memory_space<hbm>>) dst(%dma_wait3A_137 : memref<128x128xf32, #tpu.memory_space<vmem>>)
      %dma_start3A_144 = arith.constant 0 : i32
      %dma_start3A_145 = arith.constant 0 : i32
      %dma_start3A_146 = arith.constant 0 : i32
      %dma_start3A_147 = arith.constant 0 : i32
      %dma_start3A_148 = arith.constant 0 : i32
      %dma_start3A_149 = tpu.memref_slice %arg10[%dma_start3A_144, %dma_start3A_147, %dma_start3A_148] : memref<2x128x128xf32, #tpu.memory_space<vmem>> -> memref<1x128x128xf32, #tpu.memory_space<vmem>>
      %dma_start3A_150 = tpu.memref_squeeze %dma_start3A_149 : memref<1x128x128xf32, #tpu.memory_space<vmem>> -> memref<128x128xf32, #tpu.memory_space<vmem>>
      %dma_start3A_151 = arith.constant 0 : i32
      %dma_start3A_152 = tpu.memref_slice %arg9[%dma_start3A_145, %dma_start3A_146, %dma_start3A_151] : memref<2x8x128xi32, #tpu.memory_space<vmem>> -> memref<1x1x128xi32, #tpu.memory_space<vmem>>
      %dma_start3A_153 = tpu.memref_squeeze %dma_start3A_152 : memref<1x1x128xi32, #tpu.memory_space<vmem>> -> memref<128xi32, #tpu.memory_space<vmem>>
      %dma_start3A_154 = arith.constant 0 : i32
      %dma_start3A_155 = arith.constant 0 : i32
      %dma_start3A_156 = tpu.memref_slice %arg7[%dma_start3A_154, %dma_start3A_155] : memref<10240x128xf32, #tpu.memory_space<vmem_shared>> -> memref<10240x128xf32, #tpu.memory_space<vmem_shared>>
      tpu.enqueue_indirect_dma source(%dma_start3A_150 : memref<128x128xf32, #tpu.memory_space<vmem>>) target(%dma_start3A_156 : memref<10240x128xf32, #tpu.memory_space<vmem_shared>>) offsets(%dma_start3A_153 : memref<128xi32, #tpu.memory_space<vmem>>) semaphore(%arg13 : memref<!tpu.dma_semaphore, #tpu.memory_space<semaphore_mem>>) {add = true}
      %dma_wait3A_157 = arith.constant 0 : i32
      %dma_wait3A_158 = arith.constant 0 : i32
      %dma_wait3A_159 = arith.constant 0 : i32
      %dma_wait3A_160 = arith.constant 0 : i32
      %dma_wait3A_161 = arith.constant 0 : i32
      %dma_wait3A_162 = tpu.memref_slice %arg10[%dma_wait3A_157, %dma_wait3A_160, %dma_wait3A_161] : memref<2x128x128xf32, #tpu.memory_space<vmem>> -> memref<1x128x128xf32, #tpu.memory_space<vmem>>
      %dma_wait3A_163 = tpu.memref_squeeze %dma_wait3A_162 : memref<1x128x128xf32, #tpu.memory_space<vmem>> -> memref<128x128xf32, #tpu.memory_space<vmem>>
      %dma_wait3A_164 = arith.constant 0 : i32
      %dma_wait3A_165 = tpu.memref_slice %arg9[%dma_wait3A_158, %dma_wait3A_159, %dma_wait3A_164] : memref<2x8x128xi32, #tpu.memory_space<vmem>> -> memref<1x1x128xi32, #tpu.memory_space<vmem>>
      %dma_wait3A_166 = tpu.memref_squeeze %dma_wait3A_165 : memref<1x1x128xi32, #tpu.memory_space<vmem>> -> memref<128xi32, #tpu.memory_space<vmem>>
      %dma_wait3A_167 = arith.constant 0 : i32
      %dma_wait3A_168 = arith.constant 0 : i32
      %dma_wait3A_169 = tpu.memref_slice %arg7[%dma_wait3A_167, %dma_wait3A_168] : memref<10240x128xf32, #tpu.memory_space<vmem_shared>> -> memref<10240x128xf32, #tpu.memory_space<vmem_shared>>
      tpu.wait_indirect_dma semaphore(%arg13 : memref<!tpu.dma_semaphore, #tpu.memory_space<semaphore_mem>>) src(%dma_wait3A_163 : memref<128x128xf32, #tpu.memory_space<vmem>>) dst(%dma_wait3A_169 : memref<10240x128xf32, #tpu.memory_space<vmem_shared>>)
      %dma_start3A_170 = arith.constant 0 : i32
      %dma_start3A_171 = arith.constant 2 : i32
      %dma_start3A_172 = arith.constant 0 : i32
      %dma_start3A_173 = arith.constant 0 : i32
      %dma_start3A_174 = arith.constant 0 : i32
      %dma_start3A_175 = tpu.memref_slice %arg10[%dma_start3A_172, %dma_start3A_173, %dma_start3A_174] : memref<2x128x128xf32, #tpu.memory_space<vmem>> -> memref<1x128x128xf32, #tpu.memory_space<vmem>>
      %dma_start3A_176 = tpu.memref_squeeze %dma_start3A_175 : memref<1x128x128xf32, #tpu.memory_space<vmem>> -> memref<128x128xf32, #tpu.memory_space<vmem>>
      %dma_start3A_177 = arith.constant 0 : i32
      %dma_start3A_178 = tpu.memref_slice %arg8[%dma_start3A_170, %dma_start3A_171, %dma_start3A_177] : memref<2x8x128xi32, #tpu.memory_space<vmem>> -> memref<1x1x128xi32, #tpu.memory_space<vmem>>
      %dma_start3A_179 = tpu.memref_squeeze %dma_start3A_178 : memref<1x1x128xi32, #tpu.memory_space<vmem>> -> memref<128xi32, #tpu.memory_space<vmem>>
      %dma_start3A_180 = arith.constant 0 : i32
      %dma_start3A_181 = arith.constant 0 : i32
      %dma_start3A_182 = tpu.memref_slice %arg2[%dma_start3A_180, %dma_start3A_181] : memref<20480x128xf32, #tpu.memory_space<hbm>> -> memref<20480x128xf32, #tpu.memory_space<hbm>>
      tpu.enqueue_indirect_dma source(%dma_start3A_182 : memref<20480x128xf32, #tpu.memory_space<hbm>>) target(%dma_start3A_176 : memref<128x128xf32, #tpu.memory_space<vmem>>) offsets(%dma_start3A_179 : memref<128xi32, #tpu.memory_space<vmem>>) semaphore(%arg12 : memref<!tpu.dma_semaphore, #tpu.memory_space<semaphore_mem>>)
      %dma_wait3A_183 = arith.constant 0 : i32
      %dma_wait3A_184 = arith.constant 1 : i32
      %dma_wait3A_185 = arith.constant 1 : i32
      %dma_wait3A_186 = arith.constant 0 : i32
      %dma_wait3A_187 = arith.constant 0 : i32
      %dma_wait3A_188 = tpu.memref_slice %arg10[%dma_wait3A_185, %dma_wait3A_186, %dma_wait3A_187] : memref<2x128x128xf32, #tpu.memory_space<vmem>> -> memref<1x128x128xf32, #tpu.memory_space<vmem>>
      %dma_wait3A_189 = tpu.memref_squeeze %dma_wait3A_188 : memref<1x128x128xf32, #tpu.memory_space<vmem>> -> memref<128x128xf32, #tpu.memory_space<vmem>>
      %dma_wait3A_190 = arith.constant 0 : i32
      %dma_wait3A_191 = tpu.memref_slice %arg8[%dma_wait3A_183, %dma_wait3A_184, %dma_wait3A_190] : memref<2x8x128xi32, #tpu.memory_space<vmem>> -> memref<1x1x128xi32, #tpu.memory_space<vmem>>
      %dma_wait3A_192 = tpu.memref_squeeze %dma_wait3A_191 : memref<1x1x128xi32, #tpu.memory_space<vmem>> -> memref<128xi32, #tpu.memory_space<vmem>>
      %dma_wait3A_193 = arith.constant 0 : i32
      %dma_wait3A_194 = arith.constant 0 : i32
      %dma_wait3A_195 = tpu.memref_slice %arg2[%dma_wait3A_193, %dma_wait3A_194] : memref<20480x128xf32, #tpu.memory_space<hbm>> -> memref<20480x128xf32, #tpu.memory_space<hbm>>
      tpu.wait_indirect_dma semaphore(%arg12 : memref<!tpu.dma_semaphore, #tpu.memory_space<semaphore_mem>>) src(%dma_wait3A_195 : memref<20480x128xf32, #tpu.memory_space<hbm>>) dst(%dma_wait3A_189 : memref<128x128xf32, #tpu.memory_space<vmem>>)
      %dma_start3A_196 = arith.constant 1 : i32
      %dma_start3A_197 = arith.constant 0 : i32
      %dma_start3A_198 = arith.constant 1 : i32
      %dma_start3A_199 = arith.constant 0 : i32
      %dma_start3A_200 = arith.constant 0 : i32
      %dma_start3A_201 = tpu.memref_slice %arg10[%dma_start3A_196, %dma_start3A_199, %dma_start3A_200] : memref<2x128x128xf32, #tpu.memory_space<vmem>> -> memref<1x128x128xf32, #tpu.memory_space<vmem>>
      %dma_start3A_202 = tpu.memref_squeeze %dma_start3A_201 : memref<1x128x128xf32, #tpu.memory_space<vmem>> -> memref<128x128xf32, #tpu.memory_space<vmem>>
      %dma_start3A_203 = arith.constant 0 : i32
      %dma_start3A_204 = tpu.memref_slice %arg9[%dma_start3A_197, %dma_start3A_198, %dma_start3A_203] : memref<2x8x128xi32, #tpu.memory_space<vmem>> -> memref<1x1x128xi32, #tpu.memory_space<vmem>>
      %dma_start3A_205 = tpu.memref_squeeze %dma_start3A_204 : memref<1x1x128xi32, #tpu.memory_space<vmem>> -> memref<128xi32, #tpu.memory_space<vmem>>
      %dma_start3A_206 = arith.constant 0 : i32
      %dma_start3A_207 = arith.constant 0 : i32
      %dma_start3A_208 = tpu.memref_slice %arg7[%dma_start3A_206, %dma_start3A_207] : memref<10240x128xf32, #tpu.memory_space<vmem_shared>> -> memref<10240x128xf32, #tpu.memory_space<vmem_shared>>
      tpu.enqueue_indirect_dma source(%dma_start3A_202 : memref<128x128xf32, #tpu.memory_space<vmem>>) target(%dma_start3A_208 : memref<10240x128xf32, #tpu.memory_space<vmem_shared>>) offsets(%dma_start3A_205 : memref<128xi32, #tpu.memory_space<vmem>>) semaphore(%arg13 : memref<!tpu.dma_semaphore, #tpu.memory_space<semaphore_mem>>) {add = true}
      %dma_wait3A_209 = arith.constant 1 : i32
      %dma_wait3A_210 = arith.constant 0 : i32
      %dma_wait3A_211 = arith.constant 1 : i32
      %dma_wait3A_212 = arith.constant 0 : i32
      %dma_wait3A_213 = arith.constant 0 : i32
      %dma_wait3A_214 = tpu.memref_slice %arg10[%dma_wait3A_209, %dma_wait3A_212, %dma_wait3A_213] : memref<2x128x128xf32, #tpu.memory_space<vmem>> -> memref<1x128x128xf32, #tpu.memory_space<vmem>>
      %dma_wait3A_215 = tpu.memref_squeeze %dma_wait3A_214 : memref<1x128x128xf32, #tpu.memory_space<vmem>> -> memref<128x128xf32, #tpu.memory_space<vmem>>
      %dma_wait3A_216 = arith.constant 0 : i32
      %dma_wait3A_217 = tpu.memref_slice %arg9[%dma_wait3A_210, %dma_wait3A_211, %dma_wait3A_216] : memref<2x8x128xi32, #tpu.memory_space<vmem>> -> memref<1x1x128xi32, #tpu.memory_space<vmem>>
      %dma_wait3A_218 = tpu.memref_squeeze %dma_wait3A_217 : memref<1x1x128xi32, #tpu.memory_space<vmem>> -> memref<128xi32, #tpu.memory_space<vmem>>
      %dma_wait3A_219 = arith.constant 0 : i32
      %dma_wait3A_220 = arith.constant 0 : i32
      %dma_wait3A_221 = tpu.memref_slice %arg7[%dma_wait3A_219, %dma_wait3A_220] : memref<10240x128xf32, #tpu.memory_space<vmem_shared>> -> memref<10240x128xf32, #tpu.memory_space<vmem_shared>>
      tpu.wait_indirect_dma semaphore(%arg13 : memref<!tpu.dma_semaphore, #tpu.memory_space<semaphore_mem>>) src(%dma_wait3A_215 : memref<128x128xf32, #tpu.memory_space<vmem>>) dst(%dma_wait3A_221 : memref<10240x128xf32, #tpu.memory_space<vmem_shared>>)
      %dma_start3A_222 = arith.constant 0 : i32
      %dma_start3A_223 = arith.constant 3 : i32
      %dma_start3A_224 = arith.constant 1 : i32
      %dma_start3A_225 = arith.constant 0 : i32
      %dma_start3A_226 = arith.constant 0 : i32
      %dma_start3A_227 = tpu.memref_slice %arg10[%dma_start3A_224, %dma_start3A_225, %dma_start3A_226] : memref<2x128x128xf32, #tpu.memory_space<vmem>> -> memref<1x128x128xf32, #tpu.memory_space<vmem>>
      %dma_start3A_228 = tpu.memref_squeeze %dma_start3A_227 : memref<1x128x128xf32, #tpu.memory_space<vmem>> -> memref<128x128xf32, #tpu.memory_space<vmem>>
      %dma_start3A_229 = arith.constant 0 : i32
      %dma_start3A_230 = tpu.memref_slice %arg8[%dma_start3A_222, %dma_start3A_223, %dma_start3A_229] : memref<2x8x128xi32, #tpu.memory_space<vmem>> -> memref<1x1x128xi32, #tpu.memory_space<vmem>>
      %dma_start3A_231 = tpu.memref_squeeze %dma_start3A_230 : memref<1x1x128xi32, #tpu.memory_space<vmem>> -> memref<128xi32, #tpu.memory_space<vmem>>
      %dma_start3A_232 = arith.constant 0 : i32
      %dma_start3A_233 = arith.constant 0 : i32
      %dma_start3A_234 = tpu.memref_slice %arg2[%dma_start3A_232, %dma_start3A_233] : memref<20480x128xf32, #tpu.memory_space<hbm>> -> memref<20480x128xf32, #tpu.memory_space<hbm>>
      tpu.enqueue_indirect_dma source(%dma_start3A_234 : memref<20480x128xf32, #tpu.memory_space<hbm>>) target(%dma_start3A_228 : memref<128x128xf32, #tpu.memory_space<vmem>>) offsets(%dma_start3A_231 : memref<128xi32, #tpu.memory_space<vmem>>) semaphore(%arg12 : memref<!tpu.dma_semaphore, #tpu.memory_space<semaphore_mem>>)
      %dma_wait3A_235 = arith.constant 0 : i32
      %dma_wait3A_236 = arith.constant 2 : i32
      %dma_wait3A_237 = arith.constant 0 : i32
      %dma_wait3A_238 = arith.constant 0 : i32
      %dma_wait3A_239 = arith.constant 0 : i32
      %dma_wait3A_240 = tpu.memref_slice %arg10[%dma_wait3A_237, %dma_wait3A_238, %dma_wait3A_239] : memref<2x128x128xf32, #tpu.memory_space<vmem>> -> memref<1x128x128xf32, #tpu.memory_space<vmem>>
      %dma_wait3A_241 = tpu.memref_squeeze %dma_wait3A_240 : memref<1x128x128xf32, #tpu.memory_space<vmem>> -> memref<128x128xf32, #tpu.memory_space<vmem>>
      %dma_wait3A_242 = arith.constant 0 : i32
      %dma_wait3A_243 = tpu.memref_slice %arg8[%dma_wait3A_235, %dma_wait3A_236, %dma_wait3A_242] : memref<2x8x128xi32, #tpu.memory_space<vmem>> -> memref<1x1x128xi32, #tpu.memory_space<vmem>>
      %dma_wait3A_244 = tpu.memref_squeeze %dma_wait3A_243 : memref<1x1x128xi32, #tpu.memory_space<vmem>> -> memref<128xi32, #tpu.memory_space<vmem>>
      %dma_wait3A_245 = arith.constant 0 : i32
      %dma_wait3A_246 = arith.constant 0 : i32
      %dma_wait3A_247 = tpu.memref_slice %arg2[%dma_wait3A_245, %dma_wait3A_246] : memref<20480x128xf32, #tpu.memory_space<hbm>> -> memref<20480x128xf32, #tpu.memory_space<hbm>>
      tpu.wait_indirect_dma semaphore(%arg12 : memref<!tpu.dma_semaphore, #tpu.memory_space<semaphore_mem>>) src(%dma_wait3A_247 : memref<20480x128xf32, #tpu.memory_space<hbm>>) dst(%dma_wait3A_241 : memref<128x128xf32, #tpu.memory_space<vmem>>)
      %dma_start3A_248 = arith.constant 0 : i32
      %dma_start3A_249 = arith.constant 0 : i32
      %dma_start3A_250 = arith.constant 2 : i32
      %dma_start3A_251 = arith.constant 0 : i32
      %dma_start3A_252 = arith.constant 0 : i32
      %dma_start3A_253 = tpu.memref_slice %arg10[%dma_start3A_248, %dma_start3A_251, %dma_start3A_252] : memref<2x128x128xf32, #tpu.memory_space<vmem>> -> memref<1x128x128xf32, #tpu.memory_space<vmem>>
      %dma_start3A_254 = tpu.memref_squeeze %dma_start3A_253 : memref<1x128x128xf32, #tpu.memory_space<vmem>> -> memref<128x128xf32, #tpu.memory_space<vmem>>
      %dma_start3A_255 = arith.constant 0 : i32
      %dma_start3A_256 = tpu.memref_slice %arg9[%dma_start3A_249, %dma_start3A_250, %dma_start3A_255] : memref<2x8x128xi32, #tpu.memory_space<vmem>> -> memref<1x1x128xi32, #tpu.memory_space<vmem>>
      %dma_start3A_257 = tpu.memref_squeeze %dma_start3A_256 : memref<1x1x128xi32, #tpu.memory_space<vmem>> -> memref<128xi32, #tpu.memory_space<vmem>>
      %dma_start3A_258 = arith.constant 0 : i32
      %dma_start3A_259 = arith.constant 0 : i32
      %dma_start3A_260 = tpu.memref_slice %arg7[%dma_start3A_258, %dma_start3A_259] : memref<10240x128xf32, #tpu.memory_space<vmem_shared>> -> memref<10240x128xf32, #tpu.memory_space<vmem_shared>>
      tpu.enqueue_indirect_dma source(%dma_start3A_254 : memref<128x128xf32, #tpu.memory_space<vmem>>) target(%dma_start3A_260 : memref<10240x128xf32, #tpu.memory_space<vmem_shared>>) offsets(%dma_start3A_257 : memref<128xi32, #tpu.memory_space<vmem>>) semaphore(%arg13 : memref<!tpu.dma_semaphore, #tpu.memory_space<semaphore_mem>>) {add = true}
      %dma_wait3A_261 = arith.constant 0 : i32
      %dma_wait3A_262 = arith.constant 0 : i32
      %dma_wait3A_263 = arith.constant 2 : i32
      %dma_wait3A_264 = arith.constant 0 : i32
      %dma_wait3A_265 = arith.constant 0 : i32
      %dma_wait3A_266 = tpu.memref_slice %arg10[%dma_wait3A_261, %dma_wait3A_264, %dma_wait3A_265] : memref<2x128x128xf32, #tpu.memory_space<vmem>> -> memref<1x128x128xf32, #tpu.memory_space<vmem>>
      %dma_wait3A_267 = tpu.memref_squeeze %dma_wait3A_266 : memref<1x128x128xf32, #tpu.memory_space<vmem>> -> memref<128x128xf32, #tpu.memory_space<vmem>>
      %dma_wait3A_268 = arith.constant 0 : i32
      %dma_wait3A_269 = tpu.memref_slice %arg9[%dma_wait3A_262, %dma_wait3A_263, %dma_wait3A_268] : memref<2x8x128xi32, #tpu.memory_space<vmem>> -> memref<1x1x128xi32, #tpu.memory_space<vmem>>
      %dma_wait3A_270 = tpu.memref_squeeze %dma_wait3A_269 : memref<1x1x128xi32, #tpu.memory_space<vmem>> -> memref<128xi32, #tpu.memory_space<vmem>>
      %dma_wait3A_271 = arith.constant 0 : i32
      %dma_wait3A_272 = arith.constant 0 : i32
      %dma_wait3A_273 = tpu.memref_slice %arg7[%dma_wait3A_271, %dma_wait3A_272] : memref<10240x128xf32, #tpu.memory_space<vmem_shared>> -> memref<10240x128xf32, #tpu.memory_space<vmem_shared>>
      tpu.wait_indirect_dma semaphore(%arg13 : memref<!tpu.dma_semaphore, #tpu.memory_space<semaphore_mem>>) src(%dma_wait3A_267 : memref<128x128xf32, #tpu.memory_space<vmem>>) dst(%dma_wait3A_273 : memref<10240x128xf32, #tpu.memory_space<vmem_shared>>)
      %dma_start3A_274 = arith.constant 0 : i32
      %dma_start3A_275 = arith.constant 4 : i32
      %dma_start3A_276 = arith.constant 0 : i32
      %dma_start3A_277 = arith.constant 0 : i32
      %dma_start3A_278 = arith.constant 0 : i32
      %dma_start3A_279 = tpu.memref_slice %arg10[%dma_start3A_276, %dma_start3A_277, %dma_start3A_278] : memref<2x128x128xf32, #tpu.memory_space<vmem>> -> memref<1x128x128xf32, #tpu.memory_space<vmem>>
      %dma_start3A_280 = tpu.memref_squeeze %dma_start3A_279 : memref<1x128x128xf32, #tpu.memory_space<vmem>> -> memref<128x128xf32, #tpu.memory_space<vmem>>
      %dma_start3A_281 = arith.constant 0 : i32
      %dma_start3A_282 = tpu.memref_slice %arg8[%dma_start3A_274, %dma_start3A_275, %dma_start3A_281] : memref<2x8x128xi32, #tpu.memory_space<vmem>> -> memref<1x1x128xi32, #tpu.memory_space<vmem>>
      %dma_start3A_283 = tpu.memref_squeeze %dma_start3A_282 : memref<1x1x128xi32, #tpu.memory_space<vmem>> -> memref<128xi32, #tpu.memory_space<vmem>>
      %dma_start3A_284 = arith.constant 0 : i32
      %dma_start3A_285 = arith.constant 0 : i32
      %dma_start3A_286 = tpu.memref_slice %arg2[%dma_start3A_284, %dma_start3A_285] : memref<20480x128xf32, #tpu.memory_space<hbm>> -> memref<20480x128xf32, #tpu.memory_space<hbm>>
      tpu.enqueue_indirect_dma source(%dma_start3A_286 : memref<20480x128xf32, #tpu.memory_space<hbm>>) target(%dma_start3A_280 : memref<128x128xf32, #tpu.memory_space<vmem>>) offsets(%dma_start3A_283 : memref<128xi32, #tpu.memory_space<vmem>>) semaphore(%arg12 : memref<!tpu.dma_semaphore, #tpu.memory_space<semaphore_mem>>)
      %dma_wait3A_287 = arith.constant 0 : i32
      %dma_wait3A_288 = arith.constant 3 : i32
      %dma_wait3A_289 = arith.constant 1 : i32
      %dma_wait3A_290 = arith.constant 0 : i32
      %dma_wait3A_291 = arith.constant 0 : i32
      %dma_wait3A_292 = tpu.memref_slice %arg10[%dma_wait3A_289, %dma_wait3A_290, %dma_wait3A_291] : memref<2x128x128xf32, #tpu.memory_space<vmem>> -> memref<1x128x128xf32, #tpu.memory_space<vmem>>
      %dma_wait3A_293 = tpu.memref_squeeze %dma_wait3A_292 : memref<1x128x128xf32, #tpu.memory_space<vmem>> -> memref<128x128xf32, #tpu.memory_space<vmem>>
      %dma_wait3A_294 = arith.constant 0 : i32
      %dma_wait3A_295 = tpu.memref_slice %arg8[%dma_wait3A_287, %dma_wait3A_288, %dma_wait3A_294] : memref<2x8x128xi32, #tpu.memory_space<vmem>> -> memref<1x1x128xi32, #tpu.memory_space<vmem>>
      %dma_wait3A_296 = tpu.memref_squeeze %dma_wait3A_295 : memref<1x1x128xi32, #tpu.memory_space<vmem>> -> memref<128xi32, #tpu.memory_space<vmem>>
      %dma_wait3A_297 = arith.constant 0 : i32
      %dma_wait3A_298 = arith.constant 0 : i32
      %dma_wait3A_299 = tpu.memref_slice %arg2[%dma_wait3A_297, %dma_wait3A_298] : memref<20480x128xf32, #tpu.memory_space<hbm>> -> memref<20480x128xf32, #tpu.memory_space<hbm>>
      tpu.wait_indirect_dma semaphore(%arg12 : memref<!tpu.dma_semaphore, #tpu.memory_space<semaphore_mem>>) src(%dma_wait3A_299 : memref<20480x128xf32, #tpu.memory_space<hbm>>) dst(%dma_wait3A_293 : memref<128x128xf32, #tpu.memory_space<vmem>>)
      %dma_start3A_300 = arith.constant 1 : i32
      %dma_start3A_301 = arith.constant 0 : i32
      %dma_start3A_302 = arith.constant 3 : i32
      %dma_start3A_303 = arith.constant 0 : i32
      %dma_start3A_304 = arith.constant 0 : i32
      %dma_start3A_305 = tpu.memref_slice %arg10[%dma_start3A_300, %dma_start3A_303, %dma_start3A_304] : memref<2x128x128xf32, #tpu.memory_space<vmem>> -> memref<1x128x128xf32, #tpu.memory_space<vmem>>
      %dma_start3A_306 = tpu.memref_squeeze %dma_start3A_305 : memref<1x128x128xf32, #tpu.memory_space<vmem>> -> memref<128x128xf32, #tpu.memory_space<vmem>>
      %dma_start3A_307 = arith.constant 0 : i32
      %dma_start3A_308 = tpu.memref_slice %arg9[%dma_start3A_301, %dma_start3A_302, %dma_start3A_307] : memref<2x8x128xi32, #tpu.memory_space<vmem>> -> memref<1x1x128xi32, #tpu.memory_space<vmem>>
      %dma_start3A_309 = tpu.memref_squeeze %dma_start3A_308 : memref<1x1x128xi32, #tpu.memory_space<vmem>> -> memref<128xi32, #tpu.memory_space<vmem>>
      %dma_start3A_310 = arith.constant 0 : i32
      %dma_start3A_311 = arith.constant 0 : i32
      %dma_start3A_312 = tpu.memref_slice %arg7[%dma_start3A_310, %dma_start3A_311] : memref<10240x128xf32, #tpu.memory_space<vmem_shared>> -> memref<10240x128xf32, #tpu.memory_space<vmem_shared>>
      tpu.enqueue_indirect_dma source(%dma_start3A_306 : memref<128x128xf32, #tpu.memory_space<vmem>>) target(%dma_start3A_312 : memref<10240x128xf32, #tpu.memory_space<vmem_shared>>) offsets(%dma_start3A_309 : memref<128xi32, #tpu.memory_space<vmem>>) semaphore(%arg13 : memref<!tpu.dma_semaphore, #tpu.memory_space<semaphore_mem>>) {add = true}
      %dma_wait3A_313 = arith.constant 1 : i32
      %dma_wait3A_314 = arith.constant 0 : i32
      %dma_wait3A_315 = arith.constant 3 : i32
      %dma_wait3A_316 = arith.constant 0 : i32
      %dma_wait3A_317 = arith.constant 0 : i32
      %dma_wait3A_318 = tpu.memref_slice %arg10[%dma_wait3A_313, %dma_wait3A_316, %dma_wait3A_317] : memref<2x128x128xf32, #tpu.memory_space<vmem>> -> memref<1x128x128xf32, #tpu.memory_space<vmem>>
      %dma_wait3A_319 = tpu.memref_squeeze %dma_wait3A_318 : memref<1x128x128xf32, #tpu.memory_space<vmem>> -> memref<128x128xf32, #tpu.memory_space<vmem>>
      %dma_wait3A_320 = arith.constant 0 : i32
      %dma_wait3A_321 = tpu.memref_slice %arg9[%dma_wait3A_314, %dma_wait3A_315, %dma_wait3A_320] : memref<2x8x128xi32, #tpu.memory_space<vmem>> -> memref<1x1x128xi32, #tpu.memory_space<vmem>>
      %dma_wait3A_322 = tpu.memref_squeeze %dma_wait3A_321 : memref<1x1x128xi32, #tpu.memory_space<vmem>> -> memref<128xi32, #tpu.memory_space<vmem>>
      %dma_wait3A_323 = arith.constant 0 : i32
      %dma_wait3A_324 = arith.constant 0 : i32
      %dma_wait3A_325 = tpu.memref_slice %arg7[%dma_wait3A_323, %dma_wait3A_324] : memref<10240x128xf32, #tpu.memory_space<vmem_shared>> -> memref<10240x128xf32, #tpu.memory_space<vmem_shared>>
      tpu.wait_indirect_dma semaphore(%arg13 : memref<!tpu.dma_semaphore, #tpu.memory_space<semaphore_mem>>) src(%dma_wait3A_319 : memref<128x128xf32, #tpu.memory_space<vmem>>) dst(%dma_wait3A_325 : memref<10240x128xf32, #tpu.memory_space<vmem_shared>>)
      %dma_start3A_326 = arith.constant 0 : i32
      %dma_start3A_327 = arith.constant 5 : i32
      %dma_start3A_328 = arith.constant 1 : i32
      %dma_start3A_329 = arith.constant 0 : i32
      %dma_start3A_330 = arith.constant 0 : i32
      %dma_start3A_331 = tpu.memref_slice %arg10[%dma_start3A_328, %dma_start3A_329, %dma_start3A_330] : memref<2x128x128xf32, #tpu.memory_space<vmem>> -> memref<1x128x128xf32, #tpu.memory_space<vmem>>
      %dma_start3A_332 = tpu.memref_squeeze %dma_start3A_331 : memref<1x128x128xf32, #tpu.memory_space<vmem>> -> memref<128x128xf32, #tpu.memory_space<vmem>>
      %dma_start3A_333 = arith.constant 0 : i32
      %dma_start3A_334 = tpu.memref_slice %arg8[%dma_start3A_326, %dma_start3A_327, %dma_start3A_333] : memref<2x8x128xi32, #tpu.memory_space<vmem>> -> memref<1x1x128xi32, #tpu.memory_space<vmem>>
      %dma_start3A_335 = tpu.memref_squeeze %dma_start3A_334 : memref<1x1x128xi32, #tpu.memory_space<vmem>> -> memref<128xi32, #tpu.memory_space<vmem>>
      %dma_start3A_336 = arith.constant 0 : i32
      %dma_start3A_337 = arith.constant 0 : i32
      %dma_start3A_338 = tpu.memref_slice %arg2[%dma_start3A_336, %dma_start3A_337] : memref<20480x128xf32, #tpu.memory_space<hbm>> -> memref<20480x128xf32, #tpu.memory_space<hbm>>
      tpu.enqueue_indirect_dma source(%dma_start3A_338 : memref<20480x128xf32, #tpu.memory_space<hbm>>) target(%dma_start3A_332 : memref<128x128xf32, #tpu.memory_space<vmem>>) offsets(%dma_start3A_335 : memref<128xi32, #tpu.memory_space<vmem>>) semaphore(%arg12 : memref<!tpu.dma_semaphore, #tpu.memory_space<semaphore_mem>>)
      %dma_wait3A_339 = arith.constant 0 : i32
      %dma_wait3A_340 = arith.constant 4 : i32
      %dma_wait3A_341 = arith.constant 0 : i32
      %dma_wait3A_342 = arith.constant 0 : i32
      %dma_wait3A_343 = arith.constant 0 : i32
      %dma_wait3A_344 = tpu.memref_slice %arg10[%dma_wait3A_341, %dma_wait3A_342, %dma_wait3A_343] : memref<2x128x128xf32, #tpu.memory_space<vmem>> -> memref<1x128x128xf32, #tpu.memory_space<vmem>>
      %dma_wait3A_345 = tpu.memref_squeeze %dma_wait3A_344 : memref<1x128x128xf32, #tpu.memory_space<vmem>> -> memref<128x128xf32, #tpu.memory_space<vmem>>
      %dma_wait3A_346 = arith.constant 0 : i32
      %dma_wait3A_347 = tpu.memref_slice %arg8[%dma_wait3A_339, %dma_wait3A_340, %dma_wait3A_346] : memref<2x8x128xi32, #tpu.memory_space<vmem>> -> memref<1x1x128xi32, #tpu.memory_space<vmem>>
      %dma_wait3A_348 = tpu.memref_squeeze %dma_wait3A_347 : memref<1x1x128xi32, #tpu.memory_space<vmem>> -> memref<128xi32, #tpu.memory_space<vmem>>
      %dma_wait3A_349 = arith.constant 0 : i32
      %dma_wait3A_350 = arith.constant 0 : i32
      %dma_wait3A_351 = tpu.memref_slice %arg2[%dma_wait3A_349, %dma_wait3A_350] : memref<20480x128xf32, #tpu.memory_space<hbm>> -> memref<20480x128xf32, #tpu.memory_space<hbm>>
      tpu.wait_indirect_dma semaphore(%arg12 : memref<!tpu.dma_semaphore, #tpu.memory_space<semaphore_mem>>) src(%dma_wait3A_351 : memref<20480x128xf32, #tpu.memory_space<hbm>>) dst(%dma_wait3A_345 : memref<128x128xf32, #tpu.memory_space<vmem>>)
      %dma_start3A_352 = arith.constant 0 : i32
      %dma_start3A_353 = arith.constant 0 : i32
      %dma_start3A_354 = arith.constant 4 : i32
      %dma_start3A_355 = arith.constant 0 : i32
      %dma_start3A_356 = arith.constant 0 : i32
      %dma_start3A_357 = tpu.memref_slice %arg10[%dma_start3A_352, %dma_start3A_355, %dma_start3A_356] : memref<2x128x128xf32, #tpu.memory_space<vmem>> -> memref<1x128x128xf32, #tpu.memory_space<vmem>>
      %dma_start3A_358 = tpu.memref_squeeze %dma_start3A_357 : memref<1x128x128xf32, #tpu.memory_space<vmem>> -> memref<128x128xf32, #tpu.memory_space<vmem>>
      %dma_start3A_359 = arith.constant 0 : i32
      %dma_start3A_360 = tpu.memref_slice %arg9[%dma_start3A_353, %dma_start3A_354, %dma_start3A_359] : memref<2x8x128xi32, #tpu.memory_space<vmem>> -> memref<1x1x128xi32, #tpu.memory_space<vmem>>
      %dma_start3A_361 = tpu.memref_squeeze %dma_start3A_360 : memref<1x1x128xi32, #tpu.memory_space<vmem>> -> memref<128xi32, #tpu.memory_space<vmem>>
      %dma_start3A_362 = arith.constant 0 : i32
      %dma_start3A_363 = arith.constant 0 : i32
      %dma_start3A_364 = tpu.memref_slice %arg7[%dma_start3A_362, %dma_start3A_363] : memref<10240x128xf32, #tpu.memory_space<vmem_shared>> -> memref<10240x128xf32, #tpu.memory_space<vmem_shared>>
      tpu.enqueue_indirect_dma source(%dma_start3A_358 : memref<128x128xf32, #tpu.memory_space<vmem>>) target(%dma_start3A_364 : memref<10240x128xf32, #tpu.memory_space<vmem_shared>>) offsets(%dma_start3A_361 : memref<128xi32, #tpu.memory_space<vmem>>) semaphore(%arg13 : memref<!tpu.dma_semaphore, #tpu.memory_space<semaphore_mem>>) {add = true}
      %dma_wait3A_365 = arith.constant 0 : i32
      %dma_wait3A_366 = arith.constant 0 : i32
      %dma_wait3A_367 = arith.constant 4 : i32
      %dma_wait3A_368 = arith.constant 0 : i32
      %dma_wait3A_369 = arith.constant 0 : i32
      %dma_wait3A_370 = tpu.memref_slice %arg10[%dma_wait3A_365, %dma_wait3A_368, %dma_wait3A_369] : memref<2x128x128xf32, #tpu.memory_space<vmem>> -> memref<1x128x128xf32, #tpu.memory_space<vmem>>
      %dma_wait3A_371 = tpu.memref_squeeze %dma_wait3A_370 : memref<1x128x128xf32, #tpu.memory_space<vmem>> -> memref<128x128xf32, #tpu.memory_space<vmem>>
      %dma_wait3A_372 = arith.constant 0 : i32
      %dma_wait3A_373 = tpu.memref_slice %arg9[%dma_wait3A_366, %dma_wait3A_367, %dma_wait3A_372] : memref<2x8x128xi32, #tpu.memory_space<vmem>> -> memref<1x1x128xi32, #tpu.memory_space<vmem>>
      %dma_wait3A_374 = tpu.memref_squeeze %dma_wait3A_373 : memref<1x1x128xi32, #tpu.memory_space<vmem>> -> memref<128xi32, #tpu.memory_space<vmem>>
      %dma_wait3A_375 = arith.constant 0 : i32
      %dma_wait3A_376 = arith.constant 0 : i32
      %dma_wait3A_377 = tpu.memref_slice %arg7[%dma_wait3A_375, %dma_wait3A_376] : memref<10240x128xf32, #tpu.memory_space<vmem_shared>> -> memref<10240x128xf32, #tpu.memory_space<vmem_shared>>
      tpu.wait_indirect_dma semaphore(%arg13 : memref<!tpu.dma_semaphore, #tpu.memory_space<semaphore_mem>>) src(%dma_wait3A_371 : memref<128x128xf32, #tpu.memory_space<vmem>>) dst(%dma_wait3A_377 : memref<10240x128xf32, #tpu.memory_space<vmem_shared>>)
      %dma_start3A_378 = arith.constant 0 : i32
      %dma_start3A_379 = arith.constant 6 : i32
      %dma_start3A_380 = arith.constant 0 : i32
      %dma_start3A_381 = arith.constant 0 : i32
      %dma_start3A_382 = arith.constant 0 : i32
      %dma_start3A_383 = tpu.memref_slice %arg10[%dma_start3A_380, %dma_start3A_381, %dma_start3A_382] : memref<2x128x128xf32, #tpu.memory_space<vmem>> -> memref<1x128x128xf32, #tpu.memory_space<vmem>>
      %dma_start3A_384 = tpu.memref_squeeze %dma_start3A_383 : memref<1x128x128xf32, #tpu.memory_space<vmem>> -> memref<128x128xf32, #tpu.memory_space<vmem>>
      %dma_start3A_385 = arith.constant 0 : i32
      %dma_start3A_386 = tpu.memref_slice %arg8[%dma_start3A_378, %dma_start3A_379, %dma_start3A_385] : memref<2x8x128xi32, #tpu.memory_space<vmem>> -> memref<1x1x128xi32, #tpu.memory_space<vmem>>
      %dma_start3A_387 = tpu.memref_squeeze %dma_start3A_386 : memref<1x1x128xi32, #tpu.memory_space<vmem>> -> memref<128xi32, #tpu.memory_space<vmem>>
      %dma_start3A_388 = arith.constant 0 : i32
      %dma_start3A_389 = arith.constant 0 : i32
      %dma_start3A_390 = tpu.memref_slice %arg2[%dma_start3A_388, %dma_start3A_389] : memref<20480x128xf32, #tpu.memory_space<hbm>> -> memref<20480x128xf32, #tpu.memory_space<hbm>>
      tpu.enqueue_indirect_dma source(%dma_start3A_390 : memref<20480x128xf32, #tpu.memory_space<hbm>>) target(%dma_start3A_384 : memref<128x128xf32, #tpu.memory_space<vmem>>) offsets(%dma_start3A_387 : memref<128xi32, #tpu.memory_space<vmem>>) semaphore(%arg12 : memref<!tpu.dma_semaphore, #tpu.memory_space<semaphore_mem>>)
      %dma_wait3A_391 = arith.constant 0 : i32
      %dma_wait3A_392 = arith.constant 5 : i32
      %dma_wait3A_393 = arith.constant 1 : i32
      %dma_wait3A_394 = arith.constant 0 : i32
      %dma_wait3A_395 = arith.constant 0 : i32
      %dma_wait3A_396 = tpu.memref_slice %arg10[%dma_wait3A_393, %dma_wait3A_394, %dma_wait3A_395] : memref<2x128x128xf32, #tpu.memory_space<vmem>> -> memref<1x128x128xf32, #tpu.memory_space<vmem>>
      %dma_wait3A_397 = tpu.memref_squeeze %dma_wait3A_396 : memref<1x128x128xf32, #tpu.memory_space<vmem>> -> memref<128x128xf32, #tpu.memory_space<vmem>>
      %dma_wait3A_398 = arith.constant 0 : i32
      %dma_wait3A_399 = tpu.memref_slice %arg8[%dma_wait3A_391, %dma_wait3A_392, %dma_wait3A_398] : memref<2x8x128xi32, #tpu.memory_space<vmem>> -> memref<1x1x128xi32, #tpu.memory_space<vmem>>
      %dma_wait3A_400 = tpu.memref_squeeze %dma_wait3A_399 : memref<1x1x128xi32, #tpu.memory_space<vmem>> -> memref<128xi32, #tpu.memory_space<vmem>>
      %dma_wait3A_401 = arith.constant 0 : i32
      %dma_wait3A_402 = arith.constant 0 : i32
      %dma_wait3A_403 = tpu.memref_slice %arg2[%dma_wait3A_401, %dma_wait3A_402] : memref<20480x128xf32, #tpu.memory_space<hbm>> -> memref<20480x128xf32, #tpu.memory_space<hbm>>
      tpu.wait_indirect_dma semaphore(%arg12 : memref<!tpu.dma_semaphore, #tpu.memory_space<semaphore_mem>>) src(%dma_wait3A_403 : memref<20480x128xf32, #tpu.memory_space<hbm>>) dst(%dma_wait3A_397 : memref<128x128xf32, #tpu.memory_space<vmem>>)
      %dma_start3A_404 = arith.constant 1 : i32
      %dma_start3A_405 = arith.constant 0 : i32
      %dma_start3A_406 = arith.constant 5 : i32
      %dma_start3A_407 = arith.constant 0 : i32
      %dma_start3A_408 = arith.constant 0 : i32
      %dma_start3A_409 = tpu.memref_slice %arg10[%dma_start3A_404, %dma_start3A_407, %dma_start3A_408] : memref<2x128x128xf32, #tpu.memory_space<vmem>> -> memref<1x128x128xf32, #tpu.memory_space<vmem>>
      %dma_start3A_410 = tpu.memref_squeeze %dma_start3A_409 : memref<1x128x128xf32, #tpu.memory_space<vmem>> -> memref<128x128xf32, #tpu.memory_space<vmem>>
      %dma_start3A_411 = arith.constant 0 : i32
      %dma_start3A_412 = tpu.memref_slice %arg9[%dma_start3A_405, %dma_start3A_406, %dma_start3A_411] : memref<2x8x128xi32, #tpu.memory_space<vmem>> -> memref<1x1x128xi32, #tpu.memory_space<vmem>>
      %dma_start3A_413 = tpu.memref_squeeze %dma_start3A_412 : memref<1x1x128xi32, #tpu.memory_space<vmem>> -> memref<128xi32, #tpu.memory_space<vmem>>
      %dma_start3A_414 = arith.constant 0 : i32
      %dma_start3A_415 = arith.constant 0 : i32
      %dma_start3A_416 = tpu.memref_slice %arg7[%dma_start3A_414, %dma_start3A_415] : memref<10240x128xf32, #tpu.memory_space<vmem_shared>> -> memref<10240x128xf32, #tpu.memory_space<vmem_shared>>
      tpu.enqueue_indirect_dma source(%dma_start3A_410 : memref<128x128xf32, #tpu.memory_space<vmem>>) target(%dma_start3A_416 : memref<10240x128xf32, #tpu.memory_space<vmem_shared>>) offsets(%dma_start3A_413 : memref<128xi32, #tpu.memory_space<vmem>>) semaphore(%arg13 : memref<!tpu.dma_semaphore, #tpu.memory_space<semaphore_mem>>) {add = true}
      %dma_wait3A_417 = arith.constant 1 : i32
      %dma_wait3A_418 = arith.constant 0 : i32
      %dma_wait3A_419 = arith.constant 5 : i32
      %dma_wait3A_420 = arith.constant 0 : i32
      %dma_wait3A_421 = arith.constant 0 : i32
      %dma_wait3A_422 = tpu.memref_slice %arg10[%dma_wait3A_417, %dma_wait3A_420, %dma_wait3A_421] : memref<2x128x128xf32, #tpu.memory_space<vmem>> -> memref<1x128x128xf32, #tpu.memory_space<vmem>>
      %dma_wait3A_423 = tpu.memref_squeeze %dma_wait3A_422 : memref<1x128x128xf32, #tpu.memory_space<vmem>> -> memref<128x128xf32, #tpu.memory_space<vmem>>
      %dma_wait3A_424 = arith.constant 0 : i32
      %dma_wait3A_425 = tpu.memref_slice %arg9[%dma_wait3A_418, %dma_wait3A_419, %dma_wait3A_424] : memref<2x8x128xi32, #tpu.memory_space<vmem>> -> memref<1x1x128xi32, #tpu.memory_space<vmem>>
      %dma_wait3A_426 = tpu.memref_squeeze %dma_wait3A_425 : memref<1x1x128xi32, #tpu.memory_space<vmem>> -> memref<128xi32, #tpu.memory_space<vmem>>
      %dma_wait3A_427 = arith.constant 0 : i32
      %dma_wait3A_428 = arith.constant 0 : i32
      %dma_wait3A_429 = tpu.memref_slice %arg7[%dma_wait3A_427, %dma_wait3A_428] : memref<10240x128xf32, #tpu.memory_space<vmem_shared>> -> memref<10240x128xf32, #tpu.memory_space<vmem_shared>>
      tpu.wait_indirect_dma semaphore(%arg13 : memref<!tpu.dma_semaphore, #tpu.memory_space<semaphore_mem>>) src(%dma_wait3A_423 : memref<128x128xf32, #tpu.memory_space<vmem>>) dst(%dma_wait3A_429 : memref<10240x128xf32, #tpu.memory_space<vmem_shared>>)
      %dma_start3A_430 = arith.constant 0 : i32
      %dma_start3A_431 = arith.constant 7 : i32
      %dma_start3A_432 = arith.constant 1 : i32
      %dma_start3A_433 = arith.constant 0 : i32
      %dma_start3A_434 = arith.constant 0 : i32
      %dma_start3A_435 = tpu.memref_slice %arg10[%dma_start3A_432, %dma_start3A_433, %dma_start3A_434] : memref<2x128x128xf32, #tpu.memory_space<vmem>> -> memref<1x128x128xf32, #tpu.memory_space<vmem>>
      %dma_start3A_436 = tpu.memref_squeeze %dma_start3A_435 : memref<1x128x128xf32, #tpu.memory_space<vmem>> -> memref<128x128xf32, #tpu.memory_space<vmem>>
      %dma_start3A_437 = arith.constant 0 : i32
      %dma_start3A_438 = tpu.memref_slice %arg8[%dma_start3A_430, %dma_start3A_431, %dma_start3A_437] : memref<2x8x128xi32, #tpu.memory_space<vmem>> -> memref<1x1x128xi32, #tpu.memory_space<vmem>>
      %dma_start3A_439 = tpu.memref_squeeze %dma_start3A_438 : memref<1x1x128xi32, #tpu.memory_space<vmem>> -> memref<128xi32, #tpu.memory_space<vmem>>
      %dma_start3A_440 = arith.constant 0 : i32
      %dma_start3A_441 = arith.constant 0 : i32
      %dma_start3A_442 = tpu.memref_slice %arg2[%dma_start3A_440, %dma_start3A_441] : memref<20480x128xf32, #tpu.memory_space<hbm>> -> memref<20480x128xf32, #tpu.memory_space<hbm>>
      tpu.enqueue_indirect_dma source(%dma_start3A_442 : memref<20480x128xf32, #tpu.memory_space<hbm>>) target(%dma_start3A_436 : memref<128x128xf32, #tpu.memory_space<vmem>>) offsets(%dma_start3A_439 : memref<128xi32, #tpu.memory_space<vmem>>) semaphore(%arg12 : memref<!tpu.dma_semaphore, #tpu.memory_space<semaphore_mem>>)
      %dma_wait3A_443 = arith.constant 0 : i32
      %dma_wait3A_444 = arith.constant 6 : i32
      %dma_wait3A_445 = arith.constant 0 : i32
      %dma_wait3A_446 = arith.constant 0 : i32
      %dma_wait3A_447 = arith.constant 0 : i32
      %dma_wait3A_448 = tpu.memref_slice %arg10[%dma_wait3A_445, %dma_wait3A_446, %dma_wait3A_447] : memref<2x128x128xf32, #tpu.memory_space<vmem>> -> memref<1x128x128xf32, #tpu.memory_space<vmem>>
      %dma_wait3A_449 = tpu.memref_squeeze %dma_wait3A_448 : memref<1x128x128xf32, #tpu.memory_space<vmem>> -> memref<128x128xf32, #tpu.memory_space<vmem>>
      %dma_wait3A_450 = arith.constant 0 : i32
      %dma_wait3A_451 = tpu.memref_slice %arg8[%dma_wait3A_443, %dma_wait3A_444, %dma_wait3A_450] : memref<2x8x128xi32, #tpu.memory_space<vmem>> -> memref<1x1x128xi32, #tpu.memory_space<vmem>>
      %dma_wait3A_452 = tpu.memref_squeeze %dma_wait3A_451 : memref<1x1x128xi32, #tpu.memory_space<vmem>> -> memref<128xi32, #tpu.memory_space<vmem>>
      %dma_wait3A_453 = arith.constant 0 : i32
      %dma_wait3A_454 = arith.constant 0 : i32
      %dma_wait3A_455 = tpu.memref_slice %arg2[%dma_wait3A_453, %dma_wait3A_454] : memref<20480x128xf32, #tpu.memory_space<hbm>> -> memref<20480x128xf32, #tpu.memory_space<hbm>>
      tpu.wait_indirect_dma semaphore(%arg12 : memref<!tpu.dma_semaphore, #tpu.memory_space<semaphore_mem>>) src(%dma_wait3A_455 : memref<20480x128xf32, #tpu.memory_space<hbm>>) dst(%dma_wait3A_449 : memref<128x128xf32, #tpu.memory_space<vmem>>)
      %dma_start3A_456 = arith.constant 0 : i32
      %dma_start3A_457 = arith.constant 0 : i32
      %dma_start3A_458 = arith.constant 6 : i32
      %dma_start3A_459 = arith.constant 0 : i32
      %dma_start3A_460 = arith.constant 0 : i32
      %dma_start3A_461 = tpu.memref_slice %arg10[%dma_start3A_456, %dma_start3A_459, %dma_start3A_460] : memref<2x128x128xf32, #tpu.memory_space<vmem>> -> memref<1x128x128xf32, #tpu.memory_space<vmem>>
      %dma_start3A_462 = tpu.memref_squeeze %dma_start3A_461 : memref<1x128x128xf32, #tpu.memory_space<vmem>> -> memref<128x128xf32, #tpu.memory_space<vmem>>
      %dma_start3A_463 = arith.constant 0 : i32
      %dma_start3A_464 = tpu.memref_slice %arg9[%dma_start3A_457, %dma_start3A_458, %dma_start3A_463] : memref<2x8x128xi32, #tpu.memory_space<vmem>> -> memref<1x1x128xi32, #tpu.memory_space<vmem>>
      %dma_start3A_465 = tpu.memref_squeeze %dma_start3A_464 : memref<1x1x128xi32, #tpu.memory_space<vmem>> -> memref<128xi32, #tpu.memory_space<vmem>>
      %dma_start3A_466 = arith.constant 0 : i32
      %dma_start3A_467 = arith.constant 0 : i32
      %dma_start3A_468 = tpu.memref_slice %arg7[%dma_start3A_466, %dma_start3A_467] : memref<10240x128xf32, #tpu.memory_space<vmem_shared>> -> memref<10240x128xf32, #tpu.memory_space<vmem_shared>>
      tpu.enqueue_indirect_dma source(%dma_start3A_462 : memref<128x128xf32, #tpu.memory_space<vmem>>) target(%dma_start3A_468 : memref<10240x128xf32, #tpu.memory_space<vmem_shared>>) offsets(%dma_start3A_465 : memref<128xi32, #tpu.memory_space<vmem>>) semaphore(%arg13 : memref<!tpu.dma_semaphore, #tpu.memory_space<semaphore_mem>>) {add = true}
      %dma_wait3A_469 = arith.constant 0 : i32
      %dma_wait3A_470 = arith.constant 7 : i32
      %dma_wait3A_471 = arith.constant 1 : i32
      %dma_wait3A_472 = arith.constant 0 : i32
      %dma_wait3A_473 = arith.constant 0 : i32
      %dma_wait3A_474 = tpu.memref_slice %arg10[%dma_wait3A_471, %dma_wait3A_472, %dma_wait3A_473] : memref<2x128x128xf32, #tpu.memory_space<vmem>> -> memref<1x128x128xf32, #tpu.memory_space<vmem>>
      %dma_wait3A_475 = tpu.memref_squeeze %dma_wait3A_474 : memref<1x128x128xf32, #tpu.memory_space<vmem>> -> memref<128x128xf32, #tpu.memory_space<vmem>>
      %dma_wait3A_476 = arith.constant 0 : i32
      %dma_wait3A_477 = tpu.memref_slice %arg8[%dma_wait3A_469, %dma_wait3A_470, %dma_wait3A_476] : memref<2x8x128xi32, #tpu.memory_space<vmem>> -> memref<1x1x128xi32, #tpu.memory_space<vmem>>
      %dma_wait3A_478 = tpu.memref_squeeze %dma_wait3A_477 : memref<1x1x128xi32, #tpu.memory_space<vmem>> -> memref<128xi32, #tpu.memory_space<vmem>>
      %dma_wait3A_479 = arith.constant 0 : i32
      %dma_wait3A_480 = arith.constant 0 : i32
      %dma_wait3A_481 = tpu.memref_slice %arg2[%dma_wait3A_479, %dma_wait3A_480] : memref<20480x128xf32, #tpu.memory_space<hbm>> -> memref<20480x128xf32, #tpu.memory_space<hbm>>
      tpu.wait_indirect_dma semaphore(%arg12 : memref<!tpu.dma_semaphore, #tpu.memory_space<semaphore_mem>>) src(%dma_wait3A_481 : memref<20480x128xf32, #tpu.memory_space<hbm>>) dst(%dma_wait3A_475 : memref<128x128xf32, #tpu.memory_space<vmem>>)
      %dma_start3A_482 = arith.constant 1 : i32
      %dma_start3A_483 = arith.constant 0 : i32
      %dma_start3A_484 = arith.constant 7 : i32
      %dma_start3A_485 = arith.constant 0 : i32
      %dma_start3A_486 = arith.constant 0 : i32
      %dma_start3A_487 = tpu.memref_slice %arg10[%dma_start3A_482, %dma_start3A_485, %dma_start3A_486] : memref<2x128x128xf32, #tpu.memory_space<vmem>> -> memref<1x128x128xf32, #tpu.memory_space<vmem>>
      %dma_start3A_488 = tpu.memref_squeeze %dma_start3A_487 : memref<1x128x128xf32, #tpu.memory_space<vmem>> -> memref<128x128xf32, #tpu.memory_space<vmem>>
      %dma_start3A_489 = arith.constant 0 : i32
      %dma_start3A_490 = tpu.memref_slice %arg9[%dma_start3A_483, %dma_start3A_484, %dma_start3A_489] : memref<2x8x128xi32, #tpu.memory_space<vmem>> -> memref<1x1x128xi32, #tpu.memory_space<vmem>>
      %dma_start3A_491 = tpu.memref_squeeze %dma_start3A_490 : memref<1x1x128xi32, #tpu.memory_space<vmem>> -> memref<128xi32, #tpu.memory_space<vmem>>
      %dma_start3A_492 = arith.constant 0 : i32
      %dma_start3A_493 = arith.constant 0 : i32
      %dma_start3A_494 = tpu.memref_slice %arg7[%dma_start3A_492, %dma_start3A_493] : memref<10240x128xf32, #tpu.memory_space<vmem_shared>> -> memref<10240x128xf32, #tpu.memory_space<vmem_shared>>
      tpu.enqueue_indirect_dma source(%dma_start3A_488 : memref<128x128xf32, #tpu.memory_space<vmem>>) target(%dma_start3A_494 : memref<10240x128xf32, #tpu.memory_space<vmem_shared>>) offsets(%dma_start3A_491 : memref<128xi32, #tpu.memory_space<vmem>>) semaphore(%arg13 : memref<!tpu.dma_semaphore, #tpu.memory_space<semaphore_mem>>) {add = true}
      %dma_wait3A_495 = arith.constant 0 : i32
      %dma_wait3A_496 = arith.constant 0 : i32
      %dma_wait3A_497 = arith.constant 6 : i32
      %dma_wait3A_498 = arith.constant 0 : i32
      %dma_wait3A_499 = arith.constant 0 : i32
      %dma_wait3A_500 = tpu.memref_slice %arg10[%dma_wait3A_495, %dma_wait3A_498, %dma_wait3A_499] : memref<2x128x128xf32, #tpu.memory_space<vmem>> -> memref<1x128x128xf32, #tpu.memory_space<vmem>>
      %dma_wait3A_501 = tpu.memref_squeeze %dma_wait3A_500 : memref<1x128x128xf32, #tpu.memory_space<vmem>> -> memref<128x128xf32, #tpu.memory_space<vmem>>
      %dma_wait3A_502 = arith.constant 0 : i32
      %dma_wait3A_503 = tpu.memref_slice %arg9[%dma_wait3A_496, %dma_wait3A_497, %dma_wait3A_502] : memref<2x8x128xi32, #tpu.memory_space<vmem>> -> memref<1x1x128xi32, #tpu.memory_space<vmem>>
      %dma_wait3A_504 = tpu.memref_squeeze %dma_wait3A_503 : memref<1x1x128xi32, #tpu.memory_space<vmem>> -> memref<128xi32, #tpu.memory_space<vmem>>
      %dma_wait3A_505 = arith.constant 0 : i32
      %dma_wait3A_506 = arith.constant 0 : i32
      %dma_wait3A_507 = tpu.memref_slice %arg7[%dma_wait3A_505, %dma_wait3A_506] : memref<10240x128xf32, #tpu.memory_space<vmem_shared>> -> memref<10240x128xf32, #tpu.memory_space<vmem_shared>>
      tpu.wait_indirect_dma semaphore(%arg13 : memref<!tpu.dma_semaphore, #tpu.memory_space<semaphore_mem>>) src(%dma_wait3A_501 : memref<128x128xf32, #tpu.memory_space<vmem>>) dst(%dma_wait3A_507 : memref<10240x128xf32, #tpu.memory_space<vmem_shared>>)
      %dma_wait3A_508 = arith.constant 1 : i32
      %dma_wait3A_509 = arith.constant 0 : i32
      %dma_wait3A_510 = arith.constant 7 : i32
      %dma_wait3A_511 = arith.constant 0 : i32
      %dma_wait3A_512 = arith.constant 0 : i32
      %dma_wait3A_513 = tpu.memref_slice %arg10[%dma_wait3A_508, %dma_wait3A_511, %dma_wait3A_512] : memref<2x128x128xf32, #tpu.memory_space<vmem>> -> memref<1x128x128xf32, #tpu.memory_space<vmem>>
      %dma_wait3A_514 = tpu.memref_squeeze %dma_wait3A_513 : memref<1x128x128xf32, #tpu.memory_space<vmem>> -> memref<128x128xf32, #tpu.memory_space<vmem>>
      %dma_wait3A_515 = arith.constant 0 : i32
      %dma_wait3A_516 = tpu.memref_slice %arg9[%dma_wait3A_509, %dma_wait3A_510, %dma_wait3A_515] : memref<2x8x128xi32, #tpu.memory_space<vmem>> -> memref<1x1x128xi32, #tpu.memory_space<vmem>>
      %dma_wait3A_517 = tpu.memref_squeeze %dma_wait3A_516 : memref<1x1x128xi32, #tpu.memory_space<vmem>> -> memref<128xi32, #tpu.memory_space<vmem>>
      %dma_wait3A_518 = arith.constant 0 : i32
      %dma_wait3A_519 = arith.constant 0 : i32
      %dma_wait3A_520 = tpu.memref_slice %arg7[%dma_wait3A_518, %dma_wait3A_519] : memref<10240x128xf32, #tpu.memory_space<vmem_shared>> -> memref<10240x128xf32, #tpu.memory_space<vmem_shared>>
      tpu.wait_indirect_dma semaphore(%arg13 : memref<!tpu.dma_semaphore, #tpu.memory_space<semaphore_mem>>) src(%dma_wait3A_514 : memref<128x128xf32, #tpu.memory_space<vmem>>) dst(%dma_wait3A_520 : memref<10240x128xf32, #tpu.memory_space<vmem_shared>>)
      %add3A_521 = arith.constant 2 : i32
      %add3A_522 = arith.addi %mul3A_70, %add3A_521 : i32
      %lt3A = arith.constant 10 : i32
      %lt3A_523 = arith.cmpi slt, %add3A_522, %lt3A : i32
      %convert_element_type3A_524 = arith.extui %lt3A_523 : i1 to i32
      %cond3A_525 = arith.constant 0 : i32
      %cond3A_526 = arith.cmpi ne, %convert_element_type3A_524, %cond3A_525 : i32
      scf.if %cond3A_526 {
        %add3A_988 = arith.constant 2 : i32
        %add3A_989 = arith.addi %mul3A_70, %add3A_988 : i32
        %eq3A_990 = arith.constant 0 : i32
        %eq3A_991 = arith.cmpi eq, %arg0, %eq3A_990 : i32
        %convert_element_type3A_992 = arith.extui %eq3A_991 : i1 to i32
        %cond3A_993 = arith.constant 0 : i32
        %cond3A_994 = arith.cmpi ne, %convert_element_type3A_992, %cond3A_993 : i32
        scf.if %cond3A_994 {
          %mul3A_1017 = arith.constant 8 : i32
          %mul3A_1018 = arith.muli %add3A_989, %mul3A_1017 : i32
          %dma_start3A_1019 = arith.constant 0 : i32
          %dma_start3A_1020 = arith.constant 0 : i32
          %dma_start3A_1021 = arith.constant 0 : i32
          %dma_start3A_1022 = tpu.memref_slice %arg8[%dma_start3A_1019, %dma_start3A_1020, %dma_start3A_1021] : memref<2x8x128xi32, #tpu.memory_space<vmem>> -> memref<1x8x128xi32, #tpu.memory_space<vmem>>
          %dma_start3A_1023 = tpu.memref_squeeze %dma_start3A_1022 : memref<1x8x128xi32, #tpu.memory_space<vmem>> -> memref<8x128xi32, #tpu.memory_space<vmem>>
          %dma_start3A_1024 = arith.constant 0 : i32
          %dma_start3A_1025 = tpu.memref_slice %arg3[%arg1, %mul3A_1018, %dma_start3A_1024] : memref<16x80x128xi32, #tpu.memory_space<hbm>> -> memref<1x8x128xi32, #tpu.memory_space<hbm>>
          %dma_start3A_1026 = tpu.memref_squeeze %dma_start3A_1025 : memref<1x8x128xi32, #tpu.memory_space<hbm>> -> memref<8x128xi32, #tpu.memory_space<hbm>>
          %dma_start3A_1027 = arith.constant 0 : i32
          %dma_start3A_1028 = arith.constant 0 : i32
          %dma_start3A_1029 = tpu.memref_slice %arg8[%dma_start3A_1019, %dma_start3A_1027, %dma_start3A_1028] : memref<2x8x128xi32, #tpu.memory_space<vmem>> -> memref<1x8x128xi32, #tpu.memory_space<vmem>>
          %dma_start3A_1030 = tpu.memref_squeeze %dma_start3A_1029 : memref<1x8x128xi32, #tpu.memory_space<vmem>> -> memref<8x128xi32, #tpu.memory_space<vmem>>
          %dma_start3A_1031 = arith.constant 0 : i32
          %dma_start3A_1032 = tpu.memref_slice %arg3[%arg1, %mul3A_1018, %dma_start3A_1031] : memref<16x80x128xi32, #tpu.memory_space<hbm>> -> memref<1x8x128xi32, #tpu.memory_space<hbm>>
          %dma_start3A_1033 = tpu.memref_squeeze %dma_start3A_1032 : memref<1x8x128xi32, #tpu.memory_space<hbm>> -> memref<8x128xi32, #tpu.memory_space<hbm>>
          tpu.enqueue_dma source(%dma_start3A_1033 : memref<8x128xi32, #tpu.memory_space<hbm>>) target(%dma_start3A_1030 : memref<8x128xi32, #tpu.memory_space<vmem>>) target_semaphore(%arg11 : memref<!tpu.dma_semaphore, #tpu.memory_space<semaphore_mem>>)
        } else {
        }
        %ne3A_995 = arith.constant 0 : i32
        %ne3A_996 = arith.cmpi ne, %arg0, %ne3A_995 : i32
        %convert_element_type3A_997 = arith.extui %ne3A_996 : i1 to i32
        %cond3A_998 = arith.constant 0 : i32
        %cond3A_999 = arith.cmpi ne, %convert_element_type3A_997, %cond3A_998 : i32
        scf.if %cond3A_999 {
          %mul3A_1017 = arith.constant 8 : i32
          %mul3A_1018 = arith.muli %add3A_989, %mul3A_1017 : i32
          %dma_start3A_1019 = arith.constant 0 : i32
          %dma_start3A_1020 = arith.constant 0 : i32
          %dma_start3A_1021 = arith.constant 0 : i32
          %dma_start3A_1022 = tpu.memref_slice %arg8[%dma_start3A_1019, %dma_start3A_1020, %dma_start3A_1021] : memref<2x8x128xi32, #tpu.memory_space<vmem>> -> memref<1x8x128xi32, #tpu.memory_space<vmem>>
          %dma_start3A_1023 = tpu.memref_squeeze %dma_start3A_1022 : memref<1x8x128xi32, #tpu.memory_space<vmem>> -> memref<8x128xi32, #tpu.memory_space<vmem>>
          %dma_start3A_1024 = arith.constant 0 : i32
          %dma_start3A_1025 = tpu.memref_slice %arg4[%arg1, %mul3A_1018, %dma_start3A_1024] : memref<16x80x128xi32, #tpu.memory_space<hbm>> -> memref<1x8x128xi32, #tpu.memory_space<hbm>>
          %dma_start3A_1026 = tpu.memref_squeeze %dma_start3A_1025 : memref<1x8x128xi32, #tpu.memory_space<hbm>> -> memref<8x128xi32, #tpu.memory_space<hbm>>
          %dma_start3A_1027 = arith.constant 0 : i32
          %dma_start3A_1028 = arith.constant 0 : i32
          %dma_start3A_1029 = tpu.memref_slice %arg8[%dma_start3A_1019, %dma_start3A_1027, %dma_start3A_1028] : memref<2x8x128xi32, #tpu.memory_space<vmem>> -> memref<1x8x128xi32, #tpu.memory_space<vmem>>
          %dma_start3A_1030 = tpu.memref_squeeze %dma_start3A_1029 : memref<1x8x128xi32, #tpu.memory_space<vmem>> -> memref<8x128xi32, #tpu.memory_space<vmem>>
          %dma_start3A_1031 = arith.constant 0 : i32
          %dma_start3A_1032 = tpu.memref_slice %arg4[%arg1, %mul3A_1018, %dma_start3A_1031] : memref<16x80x128xi32, #tpu.memory_space<hbm>> -> memref<1x8x128xi32, #tpu.memory_space<hbm>>
          %dma_start3A_1033 = tpu.memref_squeeze %dma_start3A_1032 : memref<1x8x128xi32, #tpu.memory_space<hbm>> -> memref<8x128xi32, #tpu.memory_space<hbm>>
          tpu.enqueue_dma source(%dma_start3A_1033 : memref<8x128xi32, #tpu.memory_space<hbm>>) target(%dma_start3A_1030 : memref<8x128xi32, #tpu.memory_space<vmem>>) target_semaphore(%arg11 : memref<!tpu.dma_semaphore, #tpu.memory_space<semaphore_mem>>)
        } else {
        }
        %mul3A_1000 = arith.constant 8 : i32
        %mul3A_1001 = arith.muli %add3A_989, %mul3A_1000 : i32
        %dma_start3A_1002 = arith.constant 0 : i32
        %dma_start3A_1003 = arith.constant 0 : i32
        %dma_start3A_1004 = arith.constant 0 : i32
        %dma_start3A_1005 = tpu.memref_slice %arg9[%dma_start3A_1002, %dma_start3A_1003, %dma_start3A_1004] : memref<2x8x128xi32, #tpu.memory_space<vmem>> -> memref<1x8x128xi32, #tpu.memory_space<vmem>>
        %dma_start3A_1006 = tpu.memref_squeeze %dma_start3A_1005 : memref<1x8x128xi32, #tpu.memory_space<vmem>> -> memref<8x128xi32, #tpu.memory_space<vmem>>
        %dma_start3A_1007 = arith.constant 0 : i32
        %dma_start3A_1008 = tpu.memref_slice %arg5[%arg1, %mul3A_1001, %dma_start3A_1007] : memref<16x80x128xi32, #tpu.memory_space<hbm>> -> memref<1x8x128xi32, #tpu.memory_space<hbm>>
        %dma_start3A_1009 = tpu.memref_squeeze %dma_start3A_1008 : memref<1x8x128xi32, #tpu.memory_space<hbm>> -> memref<8x128xi32, #tpu.memory_space<hbm>>
        %dma_start3A_1010 = arith.constant 0 : i32
        %dma_start3A_1011 = arith.constant 0 : i32
        %dma_start3A_1012 = tpu.memref_slice %arg9[%dma_start3A_1002, %dma_start3A_1010, %dma_start3A_1011] : memref<2x8x128xi32, #tpu.memory_space<vmem>> -> memref<1x8x128xi32, #tpu.memory_space<vmem>>
        %dma_start3A_1013 = tpu.memref_squeeze %dma_start3A_1012 : memref<1x8x128xi32, #tpu.memory_space<vmem>> -> memref<8x128xi32, #tpu.memory_space<vmem>>
        %dma_start3A_1014 = arith.constant 0 : i32
        %dma_start3A_1015 = tpu.memref_slice %arg5[%arg1, %mul3A_1001, %dma_start3A_1014] : memref<16x80x128xi32, #tpu.memory_space<hbm>> -> memref<1x8x128xi32, #tpu.memory_space<hbm>>
        %dma_start3A_1016 = tpu.memref_squeeze %dma_start3A_1015 : memref<1x8x128xi32, #tpu.memory_space<hbm>> -> memref<8x128xi32, #tpu.memory_space<hbm>>
        tpu.enqueue_dma source(%dma_start3A_1016 : memref<8x128xi32, #tpu.memory_space<hbm>>) target(%dma_start3A_1013 : memref<8x128xi32, #tpu.memory_space<vmem>>) target_semaphore(%arg11 : memref<!tpu.dma_semaphore, #tpu.memory_space<semaphore_mem>>)
      } else {
      }
      %mul3A_527 = arith.constant 2 : i32
      %mul3A_528 = arith.muli %mul3A_527, %scan3A_68 : i32
      %add3A_529 = arith.constant 1 : i32
      %add3A_530 = arith.addi %mul3A_528, %add3A_529 : i32
      %mul3A_531 = arith.constant 8 : i32
      %mul3A_532 = arith.muli %add3A_530, %mul3A_531 : i32
      %dma_wait3A_533 = arith.constant 1 : i32
      %dma_wait3A_534 = arith.constant 0 : i32
      %dma_wait3A_535 = arith.constant 0 : i32
      %dma_wait3A_536 = tpu.memref_slice %arg8[%dma_wait3A_533, %dma_wait3A_534, %dma_wait3A_535] : memref<2x8x128xi32, #tpu.memory_space<vmem>> -> memref<1x8x128xi32, #tpu.memory_space<vmem>>
      %dma_wait3A_537 = tpu.memref_squeeze %dma_wait3A_536 : memref<1x8x128xi32, #tpu.memory_space<vmem>> -> memref<8x128xi32, #tpu.memory_space<vmem>>
      %dma_wait3A_538 = arith.constant 0 : i32
      %dma_wait3A_539 = tpu.memref_slice %arg3[%arg1, %mul3A_532, %dma_wait3A_538] : memref<16x80x128xi32, #tpu.memory_space<hbm>> -> memref<1x8x128xi32, #tpu.memory_space<hbm>>
      %dma_wait3A_540 = tpu.memref_squeeze %dma_wait3A_539 : memref<1x8x128xi32, #tpu.memory_space<hbm>> -> memref<8x128xi32, #tpu.memory_space<hbm>>
      %dma_wait3A_541 = arith.constant 0 : i32
      %dma_wait3A_542 = arith.constant 0 : i32
      %dma_wait3A_543 = tpu.memref_slice %arg8[%dma_wait3A_533, %dma_wait3A_541, %dma_wait3A_542] : memref<2x8x128xi32, #tpu.memory_space<vmem>> -> memref<1x8x128xi32, #tpu.memory_space<vmem>>
      %dma_wait3A_544 = tpu.memref_squeeze %dma_wait3A_543 : memref<1x8x128xi32, #tpu.memory_space<vmem>> -> memref<8x128xi32, #tpu.memory_space<vmem>>
      %dma_wait3A_545 = arith.constant 0 : i32
      %dma_wait3A_546 = tpu.memref_slice %arg3[%arg1, %mul3A_532, %dma_wait3A_545] : memref<16x80x128xi32, #tpu.memory_space<hbm>> -> memref<1x8x128xi32, #tpu.memory_space<hbm>>
      %dma_wait3A_547 = tpu.memref_squeeze %dma_wait3A_546 : memref<1x8x128xi32, #tpu.memory_space<hbm>> -> memref<8x128xi32, #tpu.memory_space<hbm>>
      tpu.wait_dma2 semaphore(%arg11 : memref<!tpu.dma_semaphore, #tpu.memory_space<semaphore_mem>>) src(%dma_wait3A_547 : memref<8x128xi32, #tpu.memory_space<hbm>>) dst(%dma_wait3A_544 : memref<8x128xi32, #tpu.memory_space<vmem>>)
      %mul3A_548 = arith.constant 8 : i32
      %mul3A_549 = arith.muli %add3A_530, %mul3A_548 : i32
      %dma_wait3A_550 = arith.constant 1 : i32
      %dma_wait3A_551 = arith.constant 0 : i32
      %dma_wait3A_552 = arith.constant 0 : i32
      %dma_wait3A_553 = tpu.memref_slice %arg9[%dma_wait3A_550, %dma_wait3A_551, %dma_wait3A_552] : memref<2x8x128xi32, #tpu.memory_space<vmem>> -> memref<1x8x128xi32, #tpu.memory_space<vmem>>
      %dma_wait3A_554 = tpu.memref_squeeze %dma_wait3A_553 : memref<1x8x128xi32, #tpu.memory_space<vmem>> -> memref<8x128xi32, #tpu.memory_space<vmem>>
      %dma_wait3A_555 = arith.constant 0 : i32
      %dma_wait3A_556 = tpu.memref_slice %arg5[%arg1, %mul3A_549, %dma_wait3A_555] : memref<16x80x128xi32, #tpu.memory_space<hbm>> -> memref<1x8x128xi32, #tpu.memory_space<hbm>>
      %dma_wait3A_557 = tpu.memref_squeeze %dma_wait3A_556 : memref<1x8x128xi32, #tpu.memory_space<hbm>> -> memref<8x128xi32, #tpu.memory_space<hbm>>
      %dma_wait3A_558 = arith.constant 0 : i32
      %dma_wait3A_559 = arith.constant 0 : i32
      %dma_wait3A_560 = tpu.memref_slice %arg9[%dma_wait3A_550, %dma_wait3A_558, %dma_wait3A_559] : memref<2x8x128xi32, #tpu.memory_space<vmem>> -> memref<1x8x128xi32, #tpu.memory_space<vmem>>
      %dma_wait3A_561 = tpu.memref_squeeze %dma_wait3A_560 : memref<1x8x128xi32, #tpu.memory_space<vmem>> -> memref<8x128xi32, #tpu.memory_space<vmem>>
      %dma_wait3A_562 = arith.constant 0 : i32
      %dma_wait3A_563 = tpu.memref_slice %arg5[%arg1, %mul3A_549, %dma_wait3A_562] : memref<16x80x128xi32, #tpu.memory_space<hbm>> -> memref<1x8x128xi32, #tpu.memory_space<hbm>>
      %dma_wait3A_564 = tpu.memref_squeeze %dma_wait3A_563 : memref<1x8x128xi32, #tpu.memory_space<hbm>> -> memref<8x128xi32, #tpu.memory_space<hbm>>
      tpu.wait_dma2 semaphore(%arg11 : memref<!tpu.dma_semaphore, #tpu.memory_space<semaphore_mem>>) src(%dma_wait3A_564 : memref<8x128xi32, #tpu.memory_space<hbm>>) dst(%dma_wait3A_561 : memref<8x128xi32, #tpu.memory_space<vmem>>)
      %dma_start3A_565 = arith.constant 1 : i32
      %dma_start3A_566 = arith.constant 0 : i32
      %dma_start3A_567 = arith.constant 0 : i32
      %dma_start3A_568 = arith.constant 0 : i32
      %dma_start3A_569 = arith.constant 0 : i32
      %dma_start3A_570 = tpu.memref_slice %arg10[%dma_start3A_567, %dma_start3A_568, %dma_start3A_569] : memref<2x128x128xf32, #tpu.memory_space<vmem>> -> memref<1x128x128xf32, #tpu.memory_space<vmem>>
      %dma_start3A_571 = tpu.memref_squeeze %dma_start3A_570 : memref<1x128x128xf32, #tpu.memory_space<vmem>> -> memref<128x128xf32, #tpu.memory_space<vmem>>
      %dma_start3A_572 = arith.constant 0 : i32
      %dma_start3A_573 = tpu.memref_slice %arg8[%dma_start3A_565, %dma_start3A_566, %dma_start3A_572] : memref<2x8x128xi32, #tpu.memory_space<vmem>> -> memref<1x1x128xi32, #tpu.memory_space<vmem>>
      %dma_start3A_574 = tpu.memref_squeeze %dma_start3A_573 : memref<1x1x128xi32, #tpu.memory_space<vmem>> -> memref<128xi32, #tpu.memory_space<vmem>>
      %dma_start3A_575 = arith.constant 0 : i32
      %dma_start3A_576 = arith.constant 0 : i32
      %dma_start3A_577 = tpu.memref_slice %arg2[%dma_start3A_575, %dma_start3A_576] : memref<20480x128xf32, #tpu.memory_space<hbm>> -> memref<20480x128xf32, #tpu.memory_space<hbm>>
      tpu.enqueue_indirect_dma source(%dma_start3A_577 : memref<20480x128xf32, #tpu.memory_space<hbm>>) target(%dma_start3A_571 : memref<128x128xf32, #tpu.memory_space<vmem>>) offsets(%dma_start3A_574 : memref<128xi32, #tpu.memory_space<vmem>>) semaphore(%arg12 : memref<!tpu.dma_semaphore, #tpu.memory_space<semaphore_mem>>)
      %dma_start3A_578 = arith.constant 1 : i32
      %dma_start3A_579 = arith.constant 1 : i32
      %dma_start3A_580 = arith.constant 1 : i32
      %dma_start3A_581 = arith.constant 0 : i32
      %dma_start3A_582 = arith.constant 0 : i32
      %dma_start3A_583 = tpu.memref_slice %arg10[%dma_start3A_580, %dma_start3A_581, %dma_start3A_582] : memref<2x128x128xf32, #tpu.memory_space<vmem>> -> memref<1x128x128xf32, #tpu.memory_space<vmem>>
      %dma_start3A_584 = tpu.memref_squeeze %dma_start3A_583 : memref<1x128x128xf32, #tpu.memory_space<vmem>> -> memref<128x128xf32, #tpu.memory_space<vmem>>
      %dma_start3A_585 = arith.constant 0 : i32
      %dma_start3A_586 = tpu.memref_slice %arg8[%dma_start3A_578, %dma_start3A_579, %dma_start3A_585] : memref<2x8x128xi32, #tpu.memory_space<vmem>> -> memref<1x1x128xi32, #tpu.memory_space<vmem>>
      %dma_start3A_587 = tpu.memref_squeeze %dma_start3A_586 : memref<1x1x128xi32, #tpu.memory_space<vmem>> -> memref<128xi32, #tpu.memory_space<vmem>>
      %dma_start3A_588 = arith.constant 0 : i32
      %dma_start3A_589 = arith.constant 0 : i32
      %dma_start3A_590 = tpu.memref_slice %arg2[%dma_start3A_588, %dma_start3A_589] : memref<20480x128xf32, #tpu.memory_space<hbm>> -> memref<20480x128xf32, #tpu.memory_space<hbm>>
      tpu.enqueue_indirect_dma source(%dma_start3A_590 : memref<20480x128xf32, #tpu.memory_space<hbm>>) target(%dma_start3A_584 : memref<128x128xf32, #tpu.memory_space<vmem>>) offsets(%dma_start3A_587 : memref<128xi32, #tpu.memory_space<vmem>>) semaphore(%arg12 : memref<!tpu.dma_semaphore, #tpu.memory_space<semaphore_mem>>)
      %dma_wait3A_591 = arith.constant 1 : i32
      %dma_wait3A_592 = arith.constant 0 : i32
      %dma_wait3A_593 = arith.constant 0 : i32
      %dma_wait3A_594 = arith.constant 0 : i32
      %dma_wait3A_595 = arith.constant 0 : i32
      %dma_wait3A_596 = tpu.memref_slice %arg10[%dma_wait3A_593, %dma_wait3A_594, %dma_wait3A_595] : memref<2x128x128xf32, #tpu.memory_space<vmem>> -> memref<1x128x128xf32, #tpu.memory_space<vmem>>
      %dma_wait3A_597 = tpu.memref_squeeze %dma_wait3A_596 : memref<1x128x128xf32, #tpu.memory_space<vmem>> -> memref<128x128xf32, #tpu.memory_space<vmem>>
      %dma_wait3A_598 = arith.constant 0 : i32
      %dma_wait3A_599 = tpu.memref_slice %arg8[%dma_wait3A_591, %dma_wait3A_592, %dma_wait3A_598] : memref<2x8x128xi32, #tpu.memory_space<vmem>> -> memref<1x1x128xi32, #tpu.memory_space<vmem>>
      %dma_wait3A_600 = tpu.memref_squeeze %dma_wait3A_599 : memref<1x1x128xi32, #tpu.memory_space<vmem>> -> memref<128xi32, #tpu.memory_space<vmem>>
      %dma_wait3A_601 = arith.constant 0 : i32
      %dma_wait3A_602 = arith.constant 0 : i32
      %dma_wait3A_603 = tpu.memref_slice %arg2[%dma_wait3A_601, %dma_wait3A_602] : memref<20480x128xf32, #tpu.memory_space<hbm>> -> memref<20480x128xf32, #tpu.memory_space<hbm>>
      tpu.wait_indirect_dma semaphore(%arg12 : memref<!tpu.dma_semaphore, #tpu.memory_space<semaphore_mem>>) src(%dma_wait3A_603 : memref<20480x128xf32, #tpu.memory_space<hbm>>) dst(%dma_wait3A_597 : memref<128x128xf32, #tpu.memory_space<vmem>>)
      %dma_start3A_604 = arith.constant 0 : i32
      %dma_start3A_605 = arith.constant 1 : i32
      %dma_start3A_606 = arith.constant 0 : i32
      %dma_start3A_607 = arith.constant 0 : i32
      %dma_start3A_608 = arith.constant 0 : i32
      %dma_start3A_609 = tpu.memref_slice %arg10[%dma_start3A_604, %dma_start3A_607, %dma_start3A_608] : memref<2x128x128xf32, #tpu.memory_space<vmem>> -> memref<1x128x128xf32, #tpu.memory_space<vmem>>
      %dma_start3A_610 = tpu.memref_squeeze %dma_start3A_609 : memref<1x128x128xf32, #tpu.memory_space<vmem>> -> memref<128x128xf32, #tpu.memory_space<vmem>>
      %dma_start3A_611 = arith.constant 0 : i32
      %dma_start3A_612 = tpu.memref_slice %arg9[%dma_start3A_605, %dma_start3A_606, %dma_start3A_611] : memref<2x8x128xi32, #tpu.memory_space<vmem>> -> memref<1x1x128xi32, #tpu.memory_space<vmem>>
      %dma_start3A_613 = tpu.memref_squeeze %dma_start3A_612 : memref<1x1x128xi32, #tpu.memory_space<vmem>> -> memref<128xi32, #tpu.memory_space<vmem>>
      %dma_start3A_614 = arith.constant 0 : i32
      %dma_start3A_615 = arith.constant 0 : i32
      %dma_start3A_616 = tpu.memref_slice %arg7[%dma_start3A_614, %dma_start3A_615] : memref<10240x128xf32, #tpu.memory_space<vmem_shared>> -> memref<10240x128xf32, #tpu.memory_space<vmem_shared>>
      tpu.enqueue_indirect_dma source(%dma_start3A_610 : memref<128x128xf32, #tpu.memory_space<vmem>>) target(%dma_start3A_616 : memref<10240x128xf32, #tpu.memory_space<vmem_shared>>) offsets(%dma_start3A_613 : memref<128xi32, #tpu.memory_space<vmem>>) semaphore(%arg13 : memref<!tpu.dma_semaphore, #tpu.memory_space<semaphore_mem>>) {add = true}
      %dma_wait3A_617 = arith.constant 0 : i32
      %dma_wait3A_618 = arith.constant 1 : i32
      %dma_wait3A_619 = arith.constant 0 : i32
      %dma_wait3A_620 = arith.constant 0 : i32
      %dma_wait3A_621 = arith.constant 0 : i32
      %dma_wait3A_622 = tpu.memref_slice %arg10[%dma_wait3A_617, %dma_wait3A_620, %dma_wait3A_621] : memref<2x128x128xf32, #tpu.memory_space<vmem>> -> memref<1x128x128xf32, #tpu.memory_space<vmem>>
      %dma_wait3A_623 = tpu.memref_squeeze %dma_wait3A_622 : memref<1x128x128xf32, #tpu.memory_space<vmem>> -> memref<128x128xf32, #tpu.memory_space<vmem>>
      %dma_wait3A_624 = arith.constant 0 : i32
      %dma_wait3A_625 = tpu.memref_slice %arg9[%dma_wait3A_618, %dma_wait3A_619, %dma_wait3A_624] : memref<2x8x128xi32, #tpu.memory_space<vmem>> -> memref<1x1x128xi32, #tpu.memory_space<vmem>>
      %dma_wait3A_626 = tpu.memref_squeeze %dma_wait3A_625 : memref<1x1x128xi32, #tpu.memory_space<vmem>> -> memref<128xi32, #tpu.memory_space<vmem>>
      %dma_wait3A_627 = arith.constant 0 : i32
      %dma_wait3A_628 = arith.constant 0 : i32
      %dma_wait3A_629 = tpu.memref_slice %arg7[%dma_wait3A_627, %dma_wait3A_628] : memref<10240x128xf32, #tpu.memory_space<vmem_shared>> -> memref<10240x128xf32, #tpu.memory_space<vmem_shared>>
      tpu.wait_indirect_dma semaphore(%arg13 : memref<!tpu.dma_semaphore, #tpu.memory_space<semaphore_mem>>) src(%dma_wait3A_623 : memref<128x128xf32, #tpu.memory_space<vmem>>) dst(%dma_wait3A_629 : memref<10240x128xf32, #tpu.memory_space<vmem_shared>>)
      %dma_start3A_630 = arith.constant 1 : i32
      %dma_start3A_631 = arith.constant 2 : i32
      %dma_start3A_632 = arith.constant 0 : i32
      %dma_start3A_633 = arith.constant 0 : i32
      %dma_start3A_634 = arith.constant 0 : i32
      %dma_start3A_635 = tpu.memref_slice %arg10[%dma_start3A_632, %dma_start3A_633, %dma_start3A_634] : memref<2x128x128xf32, #tpu.memory_space<vmem>> -> memref<1x128x128xf32, #tpu.memory_space<vmem>>
      %dma_start3A_636 = tpu.memref_squeeze %dma_start3A_635 : memref<1x128x128xf32, #tpu.memory_space<vmem>> -> memref<128x128xf32, #tpu.memory_space<vmem>>
      %dma_start3A_637 = arith.constant 0 : i32
      %dma_start3A_638 = tpu.memref_slice %arg8[%dma_start3A_630, %dma_start3A_631, %dma_start3A_637] : memref<2x8x128xi32, #tpu.memory_space<vmem>> -> memref<1x1x128xi32, #tpu.memory_space<vmem>>
      %dma_start3A_639 = tpu.memref_squeeze %dma_start3A_638 : memref<1x1x128xi32, #tpu.memory_space<vmem>> -> memref<128xi32, #tpu.memory_space<vmem>>
      %dma_start3A_640 = arith.constant 0 : i32
      %dma_start3A_641 = arith.constant 0 : i32
      %dma_start3A_642 = tpu.memref_slice %arg2[%dma_start3A_640, %dma_start3A_641] : memref<20480x128xf32, #tpu.memory_space<hbm>> -> memref<20480x128xf32, #tpu.memory_space<hbm>>
      tpu.enqueue_indirect_dma source(%dma_start3A_642 : memref<20480x128xf32, #tpu.memory_space<hbm>>) target(%dma_start3A_636 : memref<128x128xf32, #tpu.memory_space<vmem>>) offsets(%dma_start3A_639 : memref<128xi32, #tpu.memory_space<vmem>>) semaphore(%arg12 : memref<!tpu.dma_semaphore, #tpu.memory_space<semaphore_mem>>)
      %dma_wait3A_643 = arith.constant 1 : i32
      %dma_wait3A_644 = arith.constant 1 : i32
      %dma_wait3A_645 = arith.constant 1 : i32
      %dma_wait3A_646 = arith.constant 0 : i32
      %dma_wait3A_647 = arith.constant 0 : i32
      %dma_wait3A_648 = tpu.memref_slice %arg10[%dma_wait3A_645, %dma_wait3A_646, %dma_wait3A_647] : memref<2x128x128xf32, #tpu.memory_space<vmem>> -> memref<1x128x128xf32, #tpu.memory_space<vmem>>
      %dma_wait3A_649 = tpu.memref_squeeze %dma_wait3A_648 : memref<1x128x128xf32, #tpu.memory_space<vmem>> -> memref<128x128xf32, #tpu.memory_space<vmem>>
      %dma_wait3A_650 = arith.constant 0 : i32
      %dma_wait3A_651 = tpu.memref_slice %arg8[%dma_wait3A_643, %dma_wait3A_644, %dma_wait3A_650] : memref<2x8x128xi32, #tpu.memory_space<vmem>> -> memref<1x1x128xi32, #tpu.memory_space<vmem>>
      %dma_wait3A_652 = tpu.memref_squeeze %dma_wait3A_651 : memref<1x1x128xi32, #tpu.memory_space<vmem>> -> memref<128xi32, #tpu.memory_space<vmem>>
      %dma_wait3A_653 = arith.constant 0 : i32
      %dma_wait3A_654 = arith.constant 0 : i32
      %dma_wait3A_655 = tpu.memref_slice %arg2[%dma_wait3A_653, %dma_wait3A_654] : memref<20480x128xf32, #tpu.memory_space<hbm>> -> memref<20480x128xf32, #tpu.memory_space<hbm>>
      tpu.wait_indirect_dma semaphore(%arg12 : memref<!tpu.dma_semaphore, #tpu.memory_space<semaphore_mem>>) src(%dma_wait3A_655 : memref<20480x128xf32, #tpu.memory_space<hbm>>) dst(%dma_wait3A_649 : memref<128x128xf32, #tpu.memory_space<vmem>>)
      %dma_start3A_656 = arith.constant 1 : i32
      %dma_start3A_657 = arith.constant 1 : i32
      %dma_start3A_658 = arith.constant 1 : i32
      %dma_start3A_659 = arith.constant 0 : i32
      %dma_start3A_660 = arith.constant 0 : i32
      %dma_start3A_661 = tpu.memref_slice %arg10[%dma_start3A_656, %dma_start3A_659, %dma_start3A_660] : memref<2x128x128xf32, #tpu.memory_space<vmem>> -> memref<1x128x128xf32, #tpu.memory_space<vmem>>
      %dma_start3A_662 = tpu.memref_squeeze %dma_start3A_661 : memref<1x128x128xf32, #tpu.memory_space<vmem>> -> memref<128x128xf32, #tpu.memory_space<vmem>>
      %dma_start3A_663 = arith.constant 0 : i32
      %dma_start3A_664 = tpu.memref_slice %arg9[%dma_start3A_657, %dma_start3A_658, %dma_start3A_663] : memref<2x8x128xi32, #tpu.memory_space<vmem>> -> memref<1x1x128xi32, #tpu.memory_space<vmem>>
      %dma_start3A_665 = tpu.memref_squeeze %dma_start3A_664 : memref<1x1x128xi32, #tpu.memory_space<vmem>> -> memref<128xi32, #tpu.memory_space<vmem>>
      %dma_start3A_666 = arith.constant 0 : i32
      %dma_start3A_667 = arith.constant 0 : i32
      %dma_start3A_668 = tpu.memref_slice %arg7[%dma_start3A_666, %dma_start3A_667] : memref<10240x128xf32, #tpu.memory_space<vmem_shared>> -> memref<10240x128xf32, #tpu.memory_space<vmem_shared>>
      tpu.enqueue_indirect_dma source(%dma_start3A_662 : memref<128x128xf32, #tpu.memory_space<vmem>>) target(%dma_start3A_668 : memref<10240x128xf32, #tpu.memory_space<vmem_shared>>) offsets(%dma_start3A_665 : memref<128xi32, #tpu.memory_space<vmem>>) semaphore(%arg13 : memref<!tpu.dma_semaphore, #tpu.memory_space<semaphore_mem>>) {add = true}
      %dma_wait3A_669 = arith.constant 1 : i32
      %dma_wait3A_670 = arith.constant 1 : i32
      %dma_wait3A_671 = arith.constant 1 : i32
      %dma_wait3A_672 = arith.constant 0 : i32
      %dma_wait3A_673 = arith.constant 0 : i32
      %dma_wait3A_674 = tpu.memref_slice %arg10[%dma_wait3A_669, %dma_wait3A_672, %dma_wait3A_673] : memref<2x128x128xf32, #tpu.memory_space<vmem>> -> memref<1x128x128xf32, #tpu.memory_space<vmem>>
      %dma_wait3A_675 = tpu.memref_squeeze %dma_wait3A_674 : memref<1x128x128xf32, #tpu.memory_space<vmem>> -> memref<128x128xf32, #tpu.memory_space<vmem>>
      %dma_wait3A_676 = arith.constant 0 : i32
      %dma_wait3A_677 = tpu.memref_slice %arg9[%dma_wait3A_670, %dma_wait3A_671, %dma_wait3A_676] : memref<2x8x128xi32, #tpu.memory_space<vmem>> -> memref<1x1x128xi32, #tpu.memory_space<vmem>>
      %dma_wait3A_678 = tpu.memref_squeeze %dma_wait3A_677 : memref<1x1x128xi32, #tpu.memory_space<vmem>> -> memref<128xi32, #tpu.memory_space<vmem>>
      %dma_wait3A_679 = arith.constant 0 : i32
      %dma_wait3A_680 = arith.constant 0 : i32
      %dma_wait3A_681 = tpu.memref_slice %arg7[%dma_wait3A_679, %dma_wait3A_680] : memref<10240x128xf32, #tpu.memory_space<vmem_shared>> -> memref<10240x128xf32, #tpu.memory_space<vmem_shared>>
      tpu.wait_indirect_dma semaphore(%arg13 : memref<!tpu.dma_semaphore, #tpu.memory_space<semaphore_mem>>) src(%dma_wait3A_675 : memref<128x128xf32, #tpu.memory_space<vmem>>) dst(%dma_wait3A_681 : memref<10240x128xf32, #tpu.memory_space<vmem_shared>>)
      %dma_start3A_682 = arith.constant 1 : i32
      %dma_start3A_683 = arith.constant 3 : i32
      %dma_start3A_684 = arith.constant 1 : i32
      %dma_start3A_685 = arith.constant 0 : i32
      %dma_start3A_686 = arith.constant 0 : i32
      %dma_start3A_687 = tpu.memref_slice %arg10[%dma_start3A_684, %dma_start3A_685, %dma_start3A_686] : memref<2x128x128xf32, #tpu.memory_space<vmem>> -> memref<1x128x128xf32, #tpu.memory_space<vmem>>
      %dma_start3A_688 = tpu.memref_squeeze %dma_start3A_687 : memref<1x128x128xf32, #tpu.memory_space<vmem>> -> memref<128x128xf32, #tpu.memory_space<vmem>>
      %dma_start3A_689 = arith.constant 0 : i32
      %dma_start3A_690 = tpu.memref_slice %arg8[%dma_start3A_682, %dma_start3A_683, %dma_start3A_689] : memref<2x8x128xi32, #tpu.memory_space<vmem>> -> memref<1x1x128xi32, #tpu.memory_space<vmem>>
      %dma_start3A_691 = tpu.memref_squeeze %dma_start3A_690 : memref<1x1x128xi32, #tpu.memory_space<vmem>> -> memref<128xi32, #tpu.memory_space<vmem>>
      %dma_start3A_692 = arith.constant 0 : i32
      %dma_start3A_693 = arith.constant 0 : i32
      %dma_start3A_694 = tpu.memref_slice %arg2[%dma_start3A_692, %dma_start3A_693] : memref<20480x128xf32, #tpu.memory_space<hbm>> -> memref<20480x128xf32, #tpu.memory_space<hbm>>
      tpu.enqueue_indirect_dma source(%dma_start3A_694 : memref<20480x128xf32, #tpu.memory_space<hbm>>) target(%dma_start3A_688 : memref<128x128xf32, #tpu.memory_space<vmem>>) offsets(%dma_start3A_691 : memref<128xi32, #tpu.memory_space<vmem>>) semaphore(%arg12 : memref<!tpu.dma_semaphore, #tpu.memory_space<semaphore_mem>>)
      %dma_wait3A_695 = arith.constant 1 : i32
      %dma_wait3A_696 = arith.constant 2 : i32
      %dma_wait3A_697 = arith.constant 0 : i32
      %dma_wait3A_698 = arith.constant 0 : i32
      %dma_wait3A_699 = arith.constant 0 : i32
      %dma_wait3A_700 = tpu.memref_slice %arg10[%dma_wait3A_697, %dma_wait3A_698, %dma_wait3A_699] : memref<2x128x128xf32, #tpu.memory_space<vmem>> -> memref<1x128x128xf32, #tpu.memory_space<vmem>>
      %dma_wait3A_701 = tpu.memref_squeeze %dma_wait3A_700 : memref<1x128x128xf32, #tpu.memory_space<vmem>> -> memref<128x128xf32, #tpu.memory_space<vmem>>
      %dma_wait3A_702 = arith.constant 0 : i32
      %dma_wait3A_703 = tpu.memref_slice %arg8[%dma_wait3A_695, %dma_wait3A_696, %dma_wait3A_702] : memref<2x8x128xi32, #tpu.memory_space<vmem>> -> memref<1x1x128xi32, #tpu.memory_space<vmem>>
      %dma_wait3A_704 = tpu.memref_squeeze %dma_wait3A_703 : memref<1x1x128xi32, #tpu.memory_space<vmem>> -> memref<128xi32, #tpu.memory_space<vmem>>
      %dma_wait3A_705 = arith.constant 0 : i32
      %dma_wait3A_706 = arith.constant 0 : i32
      %dma_wait3A_707 = tpu.memref_slice %arg2[%dma_wait3A_705, %dma_wait3A_706] : memref<20480x128xf32, #tpu.memory_space<hbm>> -> memref<20480x128xf32, #tpu.memory_space<hbm>>
      tpu.wait_indirect_dma semaphore(%arg12 : memref<!tpu.dma_semaphore, #tpu.memory_space<semaphore_mem>>) src(%dma_wait3A_707 : memref<20480x128xf32, #tpu.memory_space<hbm>>) dst(%dma_wait3A_701 : memref<128x128xf32, #tpu.memory_space<vmem>>)
      %dma_start3A_708 = arith.constant 0 : i32
      %dma_start3A_709 = arith.constant 1 : i32
      %dma_start3A_710 = arith.constant 2 : i32
      %dma_start3A_711 = arith.constant 0 : i32
      %dma_start3A_712 = arith.constant 0 : i32
      %dma_start3A_713 = tpu.memref_slice %arg10[%dma_start3A_708, %dma_start3A_711, %dma_start3A_712] : memref<2x128x128xf32, #tpu.memory_space<vmem>> -> memref<1x128x128xf32, #tpu.memory_space<vmem>>
      %dma_start3A_714 = tpu.memref_squeeze %dma_start3A_713 : memref<1x128x128xf32, #tpu.memory_space<vmem>> -> memref<128x128xf32, #tpu.memory_space<vmem>>
      %dma_start3A_715 = arith.constant 0 : i32
      %dma_start3A_716 = tpu.memref_slice %arg9[%dma_start3A_709, %dma_start3A_710, %dma_start3A_715] : memref<2x8x128xi32, #tpu.memory_space<vmem>> -> memref<1x1x128xi32, #tpu.memory_space<vmem>>
      %dma_start3A_717 = tpu.memref_squeeze %dma_start3A_716 : memref<1x1x128xi32, #tpu.memory_space<vmem>> -> memref<128xi32, #tpu.memory_space<vmem>>
      %dma_start3A_718 = arith.constant 0 : i32
      %dma_start3A_719 = arith.constant 0 : i32
      %dma_start3A_720 = tpu.memref_slice %arg7[%dma_start3A_718, %dma_start3A_719] : memref<10240x128xf32, #tpu.memory_space<vmem_shared>> -> memref<10240x128xf32, #tpu.memory_space<vmem_shared>>
      tpu.enqueue_indirect_dma source(%dma_start3A_714 : memref<128x128xf32, #tpu.memory_space<vmem>>) target(%dma_start3A_720 : memref<10240x128xf32, #tpu.memory_space<vmem_shared>>) offsets(%dma_start3A_717 : memref<128xi32, #tpu.memory_space<vmem>>) semaphore(%arg13 : memref<!tpu.dma_semaphore, #tpu.memory_space<semaphore_mem>>) {add = true}
      %dma_wait3A_721 = arith.constant 0 : i32
      %dma_wait3A_722 = arith.constant 1 : i32
      %dma_wait3A_723 = arith.constant 2 : i32
      %dma_wait3A_724 = arith.constant 0 : i32
      %dma_wait3A_725 = arith.constant 0 : i32
      %dma_wait3A_726 = tpu.memref_slice %arg10[%dma_wait3A_721, %dma_wait3A_724, %dma_wait3A_725] : memref<2x128x128xf32, #tpu.memory_space<vmem>> -> memref<1x128x128xf32, #tpu.memory_space<vmem>>
      %dma_wait3A_727 = tpu.memref_squeeze %dma_wait3A_726 : memref<1x128x128xf32, #tpu.memory_space<vmem>> -> memref<128x128xf32, #tpu.memory_space<vmem>>
      %dma_wait3A_728 = arith.constant 0 : i32
      %dma_wait3A_729 = tpu.memref_slice %arg9[%dma_wait3A_722, %dma_wait3A_723, %dma_wait3A_728] : memref<2x8x128xi32, #tpu.memory_space<vmem>> -> memref<1x1x128xi32, #tpu.memory_space<vmem>>
      %dma_wait3A_730 = tpu.memref_squeeze %dma_wait3A_729 : memref<1x1x128xi32, #tpu.memory_space<vmem>> -> memref<128xi32, #tpu.memory_space<vmem>>
      %dma_wait3A_731 = arith.constant 0 : i32
      %dma_wait3A_732 = arith.constant 0 : i32
      %dma_wait3A_733 = tpu.memref_slice %arg7[%dma_wait3A_731, %dma_wait3A_732] : memref<10240x128xf32, #tpu.memory_space<vmem_shared>> -> memref<10240x128xf32, #tpu.memory_space<vmem_shared>>
      tpu.wait_indirect_dma semaphore(%arg13 : memref<!tpu.dma_semaphore, #tpu.memory_space<semaphore_mem>>) src(%dma_wait3A_727 : memref<128x128xf32, #tpu.memory_space<vmem>>) dst(%dma_wait3A_733 : memref<10240x128xf32, #tpu.memory_space<vmem_shared>>)
      %dma_start3A_734 = arith.constant 1 : i32
      %dma_start3A_735 = arith.constant 4 : i32
      %dma_start3A_736 = arith.constant 0 : i32
      %dma_start3A_737 = arith.constant 0 : i32
      %dma_start3A_738 = arith.constant 0 : i32
      %dma_start3A_739 = tpu.memref_slice %arg10[%dma_start3A_736, %dma_start3A_737, %dma_start3A_738] : memref<2x128x128xf32, #tpu.memory_space<vmem>> -> memref<1x128x128xf32, #tpu.memory_space<vmem>>
      %dma_start3A_740 = tpu.memref_squeeze %dma_start3A_739 : memref<1x128x128xf32, #tpu.memory_space<vmem>> -> memref<128x128xf32, #tpu.memory_space<vmem>>
      %dma_start3A_741 = arith.constant 0 : i32
      %dma_start3A_742 = tpu.memref_slice %arg8[%dma_start3A_734, %dma_start3A_735, %dma_start3A_741] : memref<2x8x128xi32, #tpu.memory_space<vmem>> -> memref<1x1x128xi32, #tpu.memory_space<vmem>>
      %dma_start3A_743 = tpu.memref_squeeze %dma_start3A_742 : memref<1x1x128xi32, #tpu.memory_space<vmem>> -> memref<128xi32, #tpu.memory_space<vmem>>
      %dma_start3A_744 = arith.constant 0 : i32
      %dma_start3A_745 = arith.constant 0 : i32
      %dma_start3A_746 = tpu.memref_slice %arg2[%dma_start3A_744, %dma_start3A_745] : memref<20480x128xf32, #tpu.memory_space<hbm>> -> memref<20480x128xf32, #tpu.memory_space<hbm>>
      tpu.enqueue_indirect_dma source(%dma_start3A_746 : memref<20480x128xf32, #tpu.memory_space<hbm>>) target(%dma_start3A_740 : memref<128x128xf32, #tpu.memory_space<vmem>>) offsets(%dma_start3A_743 : memref<128xi32, #tpu.memory_space<vmem>>) semaphore(%arg12 : memref<!tpu.dma_semaphore, #tpu.memory_space<semaphore_mem>>)
      %dma_wait3A_747 = arith.constant 1 : i32
      %dma_wait3A_748 = arith.constant 3 : i32
      %dma_wait3A_749 = arith.constant 1 : i32
      %dma_wait3A_750 = arith.constant 0 : i32
      %dma_wait3A_751 = arith.constant 0 : i32
      %dma_wait3A_752 = tpu.memref_slice %arg10[%dma_wait3A_749, %dma_wait3A_750, %dma_wait3A_751] : memref<2x128x128xf32, #tpu.memory_space<vmem>> -> memref<1x128x128xf32, #tpu.memory_space<vmem>>
      %dma_wait3A_753 = tpu.memref_squeeze %dma_wait3A_752 : memref<1x128x128xf32, #tpu.memory_space<vmem>> -> memref<128x128xf32, #tpu.memory_space<vmem>>
      %dma_wait3A_754 = arith.constant 0 : i32
      %dma_wait3A_755 = tpu.memref_slice %arg8[%dma_wait3A_747, %dma_wait3A_748, %dma_wait3A_754] : memref<2x8x128xi32, #tpu.memory_space<vmem>> -> memref<1x1x128xi32, #tpu.memory_space<vmem>>
      %dma_wait3A_756 = tpu.memref_squeeze %dma_wait3A_755 : memref<1x1x128xi32, #tpu.memory_space<vmem>> -> memref<128xi32, #tpu.memory_space<vmem>>
      %dma_wait3A_757 = arith.constant 0 : i32
      %dma_wait3A_758 = arith.constant 0 : i32
      %dma_wait3A_759 = tpu.memref_slice %arg2[%dma_wait3A_757, %dma_wait3A_758] : memref<20480x128xf32, #tpu.memory_space<hbm>> -> memref<20480x128xf32, #tpu.memory_space<hbm>>
      tpu.wait_indirect_dma semaphore(%arg12 : memref<!tpu.dma_semaphore, #tpu.memory_space<semaphore_mem>>) src(%dma_wait3A_759 : memref<20480x128xf32, #tpu.memory_space<hbm>>) dst(%dma_wait3A_753 : memref<128x128xf32, #tpu.memory_space<vmem>>)
      %dma_start3A_760 = arith.constant 1 : i32
      %dma_start3A_761 = arith.constant 1 : i32
      %dma_start3A_762 = arith.constant 3 : i32
      %dma_start3A_763 = arith.constant 0 : i32
      %dma_start3A_764 = arith.constant 0 : i32
      %dma_start3A_765 = tpu.memref_slice %arg10[%dma_start3A_760, %dma_start3A_763, %dma_start3A_764] : memref<2x128x128xf32, #tpu.memory_space<vmem>> -> memref<1x128x128xf32, #tpu.memory_space<vmem>>
      %dma_start3A_766 = tpu.memref_squeeze %dma_start3A_765 : memref<1x128x128xf32, #tpu.memory_space<vmem>> -> memref<128x128xf32, #tpu.memory_space<vmem>>
      %dma_start3A_767 = arith.constant 0 : i32
      %dma_start3A_768 = tpu.memref_slice %arg9[%dma_start3A_761, %dma_start3A_762, %dma_start3A_767] : memref<2x8x128xi32, #tpu.memory_space<vmem>> -> memref<1x1x128xi32, #tpu.memory_space<vmem>>
      %dma_start3A_769 = tpu.memref_squeeze %dma_start3A_768 : memref<1x1x128xi32, #tpu.memory_space<vmem>> -> memref<128xi32, #tpu.memory_space<vmem>>
      %dma_start3A_770 = arith.constant 0 : i32
      %dma_start3A_771 = arith.constant 0 : i32
      %dma_start3A_772 = tpu.memref_slice %arg7[%dma_start3A_770, %dma_start3A_771] : memref<10240x128xf32, #tpu.memory_space<vmem_shared>> -> memref<10240x128xf32, #tpu.memory_space<vmem_shared>>
      tpu.enqueue_indirect_dma source(%dma_start3A_766 : memref<128x128xf32, #tpu.memory_space<vmem>>) target(%dma_start3A_772 : memref<10240x128xf32, #tpu.memory_space<vmem_shared>>) offsets(%dma_start3A_769 : memref<128xi32, #tpu.memory_space<vmem>>) semaphore(%arg13 : memref<!tpu.dma_semaphore, #tpu.memory_space<semaphore_mem>>) {add = true}
      %dma_wait3A_773 = arith.constant 1 : i32
      %dma_wait3A_774 = arith.constant 1 : i32
      %dma_wait3A_775 = arith.constant 3 : i32
      %dma_wait3A_776 = arith.constant 0 : i32
      %dma_wait3A_777 = arith.constant 0 : i32
      %dma_wait3A_778 = tpu.memref_slice %arg10[%dma_wait3A_773, %dma_wait3A_776, %dma_wait3A_777] : memref<2x128x128xf32, #tpu.memory_space<vmem>> -> memref<1x128x128xf32, #tpu.memory_space<vmem>>
      %dma_wait3A_779 = tpu.memref_squeeze %dma_wait3A_778 : memref<1x128x128xf32, #tpu.memory_space<vmem>> -> memref<128x128xf32, #tpu.memory_space<vmem>>
      %dma_wait3A_780 = arith.constant 0 : i32
      %dma_wait3A_781 = tpu.memref_slice %arg9[%dma_wait3A_774, %dma_wait3A_775, %dma_wait3A_780] : memref<2x8x128xi32, #tpu.memory_space<vmem>> -> memref<1x1x128xi32, #tpu.memory_space<vmem>>
      %dma_wait3A_782 = tpu.memref_squeeze %dma_wait3A_781 : memref<1x1x128xi32, #tpu.memory_space<vmem>> -> memref<128xi32, #tpu.memory_space<vmem>>
      %dma_wait3A_783 = arith.constant 0 : i32
      %dma_wait3A_784 = arith.constant 0 : i32
      %dma_wait3A_785 = tpu.memref_slice %arg7[%dma_wait3A_783, %dma_wait3A_784] : memref<10240x128xf32, #tpu.memory_space<vmem_shared>> -> memref<10240x128xf32, #tpu.memory_space<vmem_shared>>
      tpu.wait_indirect_dma semaphore(%arg13 : memref<!tpu.dma_semaphore, #tpu.memory_space<semaphore_mem>>) src(%dma_wait3A_779 : memref<128x128xf32, #tpu.memory_space<vmem>>) dst(%dma_wait3A_785 : memref<10240x128xf32, #tpu.memory_space<vmem_shared>>)
      %dma_start3A_786 = arith.constant 1 : i32
      %dma_start3A_787 = arith.constant 5 : i32
      %dma_start3A_788 = arith.constant 1 : i32
      %dma_start3A_789 = arith.constant 0 : i32
      %dma_start3A_790 = arith.constant 0 : i32
      %dma_start3A_791 = tpu.memref_slice %arg10[%dma_start3A_788, %dma_start3A_789, %dma_start3A_790] : memref<2x128x128xf32, #tpu.memory_space<vmem>> -> memref<1x128x128xf32, #tpu.memory_space<vmem>>
      %dma_start3A_792 = tpu.memref_squeeze %dma_start3A_791 : memref<1x128x128xf32, #tpu.memory_space<vmem>> -> memref<128x128xf32, #tpu.memory_space<vmem>>
      %dma_start3A_793 = arith.constant 0 : i32
      %dma_start3A_794 = tpu.memref_slice %arg8[%dma_start3A_786, %dma_start3A_787, %dma_start3A_793] : memref<2x8x128xi32, #tpu.memory_space<vmem>> -> memref<1x1x128xi32, #tpu.memory_space<vmem>>
      %dma_start3A_795 = tpu.memref_squeeze %dma_start3A_794 : memref<1x1x128xi32, #tpu.memory_space<vmem>> -> memref<128xi32, #tpu.memory_space<vmem>>
      %dma_start3A_796 = arith.constant 0 : i32
      %dma_start3A_797 = arith.constant 0 : i32
      %dma_start3A_798 = tpu.memref_slice %arg2[%dma_start3A_796, %dma_start3A_797] : memref<20480x128xf32, #tpu.memory_space<hbm>> -> memref<20480x128xf32, #tpu.memory_space<hbm>>
      tpu.enqueue_indirect_dma source(%dma_start3A_798 : memref<20480x128xf32, #tpu.memory_space<hbm>>) target(%dma_start3A_792 : memref<128x128xf32, #tpu.memory_space<vmem>>) offsets(%dma_start3A_795 : memref<128xi32, #tpu.memory_space<vmem>>) semaphore(%arg12 : memref<!tpu.dma_semaphore, #tpu.memory_space<semaphore_mem>>)
      %dma_wait3A_799 = arith.constant 1 : i32
      %dma_wait3A_800 = arith.constant 4 : i32
      %dma_wait3A_801 = arith.constant 0 : i32
      %dma_wait3A_802 = arith.constant 0 : i32
      %dma_wait3A_803 = arith.constant 0 : i32
      %dma_wait3A_804 = tpu.memref_slice %arg10[%dma_wait3A_801, %dma_wait3A_802, %dma_wait3A_803] : memref<2x128x128xf32, #tpu.memory_space<vmem>> -> memref<1x128x128xf32, #tpu.memory_space<vmem>>
      %dma_wait3A_805 = tpu.memref_squeeze %dma_wait3A_804 : memref<1x128x128xf32, #tpu.memory_space<vmem>> -> memref<128x128xf32, #tpu.memory_space<vmem>>
      %dma_wait3A_806 = arith.constant 0 : i32
      %dma_wait3A_807 = tpu.memref_slice %arg8[%dma_wait3A_799, %dma_wait3A_800, %dma_wait3A_806] : memref<2x8x128xi32, #tpu.memory_space<vmem>> -> memref<1x1x128xi32, #tpu.memory_space<vmem>>
      %dma_wait3A_808 = tpu.memref_squeeze %dma_wait3A_807 : memref<1x1x128xi32, #tpu.memory_space<vmem>> -> memref<128xi32, #tpu.memory_space<vmem>>
      %dma_wait3A_809 = arith.constant 0 : i32
      %dma_wait3A_810 = arith.constant 0 : i32
      %dma_wait3A_811 = tpu.memref_slice %arg2[%dma_wait3A_809, %dma_wait3A_810] : memref<20480x128xf32, #tpu.memory_space<hbm>> -> memref<20480x128xf32, #tpu.memory_space<hbm>>
      tpu.wait_indirect_dma semaphore(%arg12 : memref<!tpu.dma_semaphore, #tpu.memory_space<semaphore_mem>>) src(%dma_wait3A_811 : memref<20480x128xf32, #tpu.memory_space<hbm>>) dst(%dma_wait3A_805 : memref<128x128xf32, #tpu.memory_space<vmem>>)
      %dma_start3A_812 = arith.constant 0 : i32
      %dma_start3A_813 = arith.constant 1 : i32
      %dma_start3A_814 = arith.constant 4 : i32
      %dma_start3A_815 = arith.constant 0 : i32
      %dma_start3A_816 = arith.constant 0 : i32
      %dma_start3A_817 = tpu.memref_slice %arg10[%dma_start3A_812, %dma_start3A_815, %dma_start3A_816] : memref<2x128x128xf32, #tpu.memory_space<vmem>> -> memref<1x128x128xf32, #tpu.memory_space<vmem>>
      %dma_start3A_818 = tpu.memref_squeeze %dma_start3A_817 : memref<1x128x128xf32, #tpu.memory_space<vmem>> -> memref<128x128xf32, #tpu.memory_space<vmem>>
      %dma_start3A_819 = arith.constant 0 : i32
      %dma_start3A_820 = tpu.memref_slice %arg9[%dma_start3A_813, %dma_start3A_814, %dma_start3A_819] : memref<2x8x128xi32, #tpu.memory_space<vmem>> -> memref<1x1x128xi32, #tpu.memory_space<vmem>>
      %dma_start3A_821 = tpu.memref_squeeze %dma_start3A_820 : memref<1x1x128xi32, #tpu.memory_space<vmem>> -> memref<128xi32, #tpu.memory_space<vmem>>
      %dma_start3A_822 = arith.constant 0 : i32
      %dma_start3A_823 = arith.constant 0 : i32
      %dma_start3A_824 = tpu.memref_slice %arg7[%dma_start3A_822, %dma_start3A_823] : memref<10240x128xf32, #tpu.memory_space<vmem_shared>> -> memref<10240x128xf32, #tpu.memory_space<vmem_shared>>
      tpu.enqueue_indirect_dma source(%dma_start3A_818 : memref<128x128xf32, #tpu.memory_space<vmem>>) target(%dma_start3A_824 : memref<10240x128xf32, #tpu.memory_space<vmem_shared>>) offsets(%dma_start3A_821 : memref<128xi32, #tpu.memory_space<vmem>>) semaphore(%arg13 : memref<!tpu.dma_semaphore, #tpu.memory_space<semaphore_mem>>) {add = true}
      %dma_wait3A_825 = arith.constant 0 : i32
      %dma_wait3A_826 = arith.constant 1 : i32
      %dma_wait3A_827 = arith.constant 4 : i32
      %dma_wait3A_828 = arith.constant 0 : i32
      %dma_wait3A_829 = arith.constant 0 : i32
      %dma_wait3A_830 = tpu.memref_slice %arg10[%dma_wait3A_825, %dma_wait3A_828, %dma_wait3A_829] : memref<2x128x128xf32, #tpu.memory_space<vmem>> -> memref<1x128x128xf32, #tpu.memory_space<vmem>>
      %dma_wait3A_831 = tpu.memref_squeeze %dma_wait3A_830 : memref<1x128x128xf32, #tpu.memory_space<vmem>> -> memref<128x128xf32, #tpu.memory_space<vmem>>
      %dma_wait3A_832 = arith.constant 0 : i32
      %dma_wait3A_833 = tpu.memref_slice %arg9[%dma_wait3A_826, %dma_wait3A_827, %dma_wait3A_832] : memref<2x8x128xi32, #tpu.memory_space<vmem>> -> memref<1x1x128xi32, #tpu.memory_space<vmem>>
      %dma_wait3A_834 = tpu.memref_squeeze %dma_wait3A_833 : memref<1x1x128xi32, #tpu.memory_space<vmem>> -> memref<128xi32, #tpu.memory_space<vmem>>
      %dma_wait3A_835 = arith.constant 0 : i32
      %dma_wait3A_836 = arith.constant 0 : i32
      %dma_wait3A_837 = tpu.memref_slice %arg7[%dma_wait3A_835, %dma_wait3A_836] : memref<10240x128xf32, #tpu.memory_space<vmem_shared>> -> memref<10240x128xf32, #tpu.memory_space<vmem_shared>>
      tpu.wait_indirect_dma semaphore(%arg13 : memref<!tpu.dma_semaphore, #tpu.memory_space<semaphore_mem>>) src(%dma_wait3A_831 : memref<128x128xf32, #tpu.memory_space<vmem>>) dst(%dma_wait3A_837 : memref<10240x128xf32, #tpu.memory_space<vmem_shared>>)
      %dma_start3A_838 = arith.constant 1 : i32
      %dma_start3A_839 = arith.constant 6 : i32
      %dma_start3A_840 = arith.constant 0 : i32
      %dma_start3A_841 = arith.constant 0 : i32
      %dma_start3A_842 = arith.constant 0 : i32
      %dma_start3A_843 = tpu.memref_slice %arg10[%dma_start3A_840, %dma_start3A_841, %dma_start3A_842] : memref<2x128x128xf32, #tpu.memory_space<vmem>> -> memref<1x128x128xf32, #tpu.memory_space<vmem>>
      %dma_start3A_844 = tpu.memref_squeeze %dma_start3A_843 : memref<1x128x128xf32, #tpu.memory_space<vmem>> -> memref<128x128xf32, #tpu.memory_space<vmem>>
      %dma_start3A_845 = arith.constant 0 : i32
      %dma_start3A_846 = tpu.memref_slice %arg8[%dma_start3A_838, %dma_start3A_839, %dma_start3A_845] : memref<2x8x128xi32, #tpu.memory_space<vmem>> -> memref<1x1x128xi32, #tpu.memory_space<vmem>>
      %dma_start3A_847 = tpu.memref_squeeze %dma_start3A_846 : memref<1x1x128xi32, #tpu.memory_space<vmem>> -> memref<128xi32, #tpu.memory_space<vmem>>
      %dma_start3A_848 = arith.constant 0 : i32
      %dma_start3A_849 = arith.constant 0 : i32
      %dma_start3A_850 = tpu.memref_slice %arg2[%dma_start3A_848, %dma_start3A_849] : memref<20480x128xf32, #tpu.memory_space<hbm>> -> memref<20480x128xf32, #tpu.memory_space<hbm>>
      tpu.enqueue_indirect_dma source(%dma_start3A_850 : memref<20480x128xf32, #tpu.memory_space<hbm>>) target(%dma_start3A_844 : memref<128x128xf32, #tpu.memory_space<vmem>>) offsets(%dma_start3A_847 : memref<128xi32, #tpu.memory_space<vmem>>) semaphore(%arg12 : memref<!tpu.dma_semaphore, #tpu.memory_space<semaphore_mem>>)
      %dma_wait3A_851 = arith.constant 1 : i32
      %dma_wait3A_852 = arith.constant 5 : i32
      %dma_wait3A_853 = arith.constant 1 : i32
      %dma_wait3A_854 = arith.constant 0 : i32
      %dma_wait3A_855 = arith.constant 0 : i32
      %dma_wait3A_856 = tpu.memref_slice %arg10[%dma_wait3A_853, %dma_wait3A_854, %dma_wait3A_855] : memref<2x128x128xf32, #tpu.memory_space<vmem>> -> memref<1x128x128xf32, #tpu.memory_space<vmem>>
      %dma_wait3A_857 = tpu.memref_squeeze %dma_wait3A_856 : memref<1x128x128xf32, #tpu.memory_space<vmem>> -> memref<128x128xf32, #tpu.memory_space<vmem>>
      %dma_wait3A_858 = arith.constant 0 : i32
      %dma_wait3A_859 = tpu.memref_slice %arg8[%dma_wait3A_851, %dma_wait3A_852, %dma_wait3A_858] : memref<2x8x128xi32, #tpu.memory_space<vmem>> -> memref<1x1x128xi32, #tpu.memory_space<vmem>>
      %dma_wait3A_860 = tpu.memref_squeeze %dma_wait3A_859 : memref<1x1x128xi32, #tpu.memory_space<vmem>> -> memref<128xi32, #tpu.memory_space<vmem>>
      %dma_wait3A_861 = arith.constant 0 : i32
      %dma_wait3A_862 = arith.constant 0 : i32
      %dma_wait3A_863 = tpu.memref_slice %arg2[%dma_wait3A_861, %dma_wait3A_862] : memref<20480x128xf32, #tpu.memory_space<hbm>> -> memref<20480x128xf32, #tpu.memory_space<hbm>>
      tpu.wait_indirect_dma semaphore(%arg12 : memref<!tpu.dma_semaphore, #tpu.memory_space<semaphore_mem>>) src(%dma_wait3A_863 : memref<20480x128xf32, #tpu.memory_space<hbm>>) dst(%dma_wait3A_857 : memref<128x128xf32, #tpu.memory_space<vmem>>)
      %dma_start3A_864 = arith.constant 1 : i32
      %dma_start3A_865 = arith.constant 1 : i32
      %dma_start3A_866 = arith.constant 5 : i32
      %dma_start3A_867 = arith.constant 0 : i32
      %dma_start3A_868 = arith.constant 0 : i32
      %dma_start3A_869 = tpu.memref_slice %arg10[%dma_start3A_864, %dma_start3A_867, %dma_start3A_868] : memref<2x128x128xf32, #tpu.memory_space<vmem>> -> memref<1x128x128xf32, #tpu.memory_space<vmem>>
      %dma_start3A_870 = tpu.memref_squeeze %dma_start3A_869 : memref<1x128x128xf32, #tpu.memory_space<vmem>> -> memref<128x128xf32, #tpu.memory_space<vmem>>
      %dma_start3A_871 = arith.constant 0 : i32
      %dma_start3A_872 = tpu.memref_slice %arg9[%dma_start3A_865, %dma_start3A_866, %dma_start3A_871] : memref<2x8x128xi32, #tpu.memory_space<vmem>> -> memref<1x1x128xi32, #tpu.memory_space<vmem>>
      %dma_start3A_873 = tpu.memref_squeeze %dma_start3A_872 : memref<1x1x128xi32, #tpu.memory_space<vmem>> -> memref<128xi32, #tpu.memory_space<vmem>>
      %dma_start3A_874 = arith.constant 0 : i32
      %dma_start3A_875 = arith.constant 0 : i32
      %dma_start3A_876 = tpu.memref_slice %arg7[%dma_start3A_874, %dma_start3A_875] : memref<10240x128xf32, #tpu.memory_space<vmem_shared>> -> memref<10240x128xf32, #tpu.memory_space<vmem_shared>>
      tpu.enqueue_indirect_dma source(%dma_start3A_870 : memref<128x128xf32, #tpu.memory_space<vmem>>) target(%dma_start3A_876 : memref<10240x128xf32, #tpu.memory_space<vmem_shared>>) offsets(%dma_start3A_873 : memref<128xi32, #tpu.memory_space<vmem>>) semaphore(%arg13 : memref<!tpu.dma_semaphore, #tpu.memory_space<semaphore_mem>>) {add = true}
      %dma_wait3A_877 = arith.constant 1 : i32
      %dma_wait3A_878 = arith.constant 1 : i32
      %dma_wait3A_879 = arith.constant 5 : i32
      %dma_wait3A_880 = arith.constant 0 : i32
      %dma_wait3A_881 = arith.constant 0 : i32
      %dma_wait3A_882 = tpu.memref_slice %arg10[%dma_wait3A_877, %dma_wait3A_880, %dma_wait3A_881] : memref<2x128x128xf32, #tpu.memory_space<vmem>> -> memref<1x128x128xf32, #tpu.memory_space<vmem>>
      %dma_wait3A_883 = tpu.memref_squeeze %dma_wait3A_882 : memref<1x128x128xf32, #tpu.memory_space<vmem>> -> memref<128x128xf32, #tpu.memory_space<vmem>>
      %dma_wait3A_884 = arith.constant 0 : i32
      %dma_wait3A_885 = tpu.memref_slice %arg9[%dma_wait3A_878, %dma_wait3A_879, %dma_wait3A_884] : memref<2x8x128xi32, #tpu.memory_space<vmem>> -> memref<1x1x128xi32, #tpu.memory_space<vmem>>
      %dma_wait3A_886 = tpu.memref_squeeze %dma_wait3A_885 : memref<1x1x128xi32, #tpu.memory_space<vmem>> -> memref<128xi32, #tpu.memory_space<vmem>>
      %dma_wait3A_887 = arith.constant 0 : i32
      %dma_wait3A_888 = arith.constant 0 : i32
      %dma_wait3A_889 = tpu.memref_slice %arg7[%dma_wait3A_887, %dma_wait3A_888] : memref<10240x128xf32, #tpu.memory_space<vmem_shared>> -> memref<10240x128xf32, #tpu.memory_space<vmem_shared>>
      tpu.wait_indirect_dma semaphore(%arg13 : memref<!tpu.dma_semaphore, #tpu.memory_space<semaphore_mem>>) src(%dma_wait3A_883 : memref<128x128xf32, #tpu.memory_space<vmem>>) dst(%dma_wait3A_889 : memref<10240x128xf32, #tpu.memory_space<vmem_shared>>)
      %dma_start3A_890 = arith.constant 1 : i32
      %dma_start3A_891 = arith.constant 7 : i32
      %dma_start3A_892 = arith.constant 1 : i32
      %dma_start3A_893 = arith.constant 0 : i32
      %dma_start3A_894 = arith.constant 0 : i32
      %dma_start3A_895 = tpu.memref_slice %arg10[%dma_start3A_892, %dma_start3A_893, %dma_start3A_894] : memref<2x128x128xf32, #tpu.memory_space<vmem>> -> memref<1x128x128xf32, #tpu.memory_space<vmem>>
      %dma_start3A_896 = tpu.memref_squeeze %dma_start3A_895 : memref<1x128x128xf32, #tpu.memory_space<vmem>> -> memref<128x128xf32, #tpu.memory_space<vmem>>
      %dma_start3A_897 = arith.constant 0 : i32
      %dma_start3A_898 = tpu.memref_slice %arg8[%dma_start3A_890, %dma_start3A_891, %dma_start3A_897] : memref<2x8x128xi32, #tpu.memory_space<vmem>> -> memref<1x1x128xi32, #tpu.memory_space<vmem>>
      %dma_start3A_899 = tpu.memref_squeeze %dma_start3A_898 : memref<1x1x128xi32, #tpu.memory_space<vmem>> -> memref<128xi32, #tpu.memory_space<vmem>>
      %dma_start3A_900 = arith.constant 0 : i32
      %dma_start3A_901 = arith.constant 0 : i32
      %dma_start3A_902 = tpu.memref_slice %arg2[%dma_start3A_900, %dma_start3A_901] : memref<20480x128xf32, #tpu.memory_space<hbm>> -> memref<20480x128xf32, #tpu.memory_space<hbm>>
      tpu.enqueue_indirect_dma source(%dma_start3A_902 : memref<20480x128xf32, #tpu.memory_space<hbm>>) target(%dma_start3A_896 : memref<128x128xf32, #tpu.memory_space<vmem>>) offsets(%dma_start3A_899 : memref<128xi32, #tpu.memory_space<vmem>>) semaphore(%arg12 : memref<!tpu.dma_semaphore, #tpu.memory_space<semaphore_mem>>)
      %dma_wait3A_903 = arith.constant 1 : i32
      %dma_wait3A_904 = arith.constant 6 : i32
      %dma_wait3A_905 = arith.constant 0 : i32
      %dma_wait3A_906 = arith.constant 0 : i32
      %dma_wait3A_907 = arith.constant 0 : i32
      %dma_wait3A_908 = tpu.memref_slice %arg10[%dma_wait3A_905, %dma_wait3A_906, %dma_wait3A_907] : memref<2x128x128xf32, #tpu.memory_space<vmem>> -> memref<1x128x128xf32, #tpu.memory_space<vmem>>
      %dma_wait3A_909 = tpu.memref_squeeze %dma_wait3A_908 : memref<1x128x128xf32, #tpu.memory_space<vmem>> -> memref<128x128xf32, #tpu.memory_space<vmem>>
      %dma_wait3A_910 = arith.constant 0 : i32
      %dma_wait3A_911 = tpu.memref_slice %arg8[%dma_wait3A_903, %dma_wait3A_904, %dma_wait3A_910] : memref<2x8x128xi32, #tpu.memory_space<vmem>> -> memref<1x1x128xi32, #tpu.memory_space<vmem>>
      %dma_wait3A_912 = tpu.memref_squeeze %dma_wait3A_911 : memref<1x1x128xi32, #tpu.memory_space<vmem>> -> memref<128xi32, #tpu.memory_space<vmem>>
      %dma_wait3A_913 = arith.constant 0 : i32
      %dma_wait3A_914 = arith.constant 0 : i32
      %dma_wait3A_915 = tpu.memref_slice %arg2[%dma_wait3A_913, %dma_wait3A_914] : memref<20480x128xf32, #tpu.memory_space<hbm>> -> memref<20480x128xf32, #tpu.memory_space<hbm>>
      tpu.wait_indirect_dma semaphore(%arg12 : memref<!tpu.dma_semaphore, #tpu.memory_space<semaphore_mem>>) src(%dma_wait3A_915 : memref<20480x128xf32, #tpu.memory_space<hbm>>) dst(%dma_wait3A_909 : memref<128x128xf32, #tpu.memory_space<vmem>>)
      %dma_start3A_916 = arith.constant 0 : i32
      %dma_start3A_917 = arith.constant 1 : i32
      %dma_start3A_918 = arith.constant 6 : i32
      %dma_start3A_919 = arith.constant 0 : i32
      %dma_start3A_920 = arith.constant 0 : i32
      %dma_start3A_921 = tpu.memref_slice %arg10[%dma_start3A_916, %dma_start3A_919, %dma_start3A_920] : memref<2x128x128xf32, #tpu.memory_space<vmem>> -> memref<1x128x128xf32, #tpu.memory_space<vmem>>
      %dma_start3A_922 = tpu.memref_squeeze %dma_start3A_921 : memref<1x128x128xf32, #tpu.memory_space<vmem>> -> memref<128x128xf32, #tpu.memory_space<vmem>>
      %dma_start3A_923 = arith.constant 0 : i32
      %dma_start3A_924 = tpu.memref_slice %arg9[%dma_start3A_917, %dma_start3A_918, %dma_start3A_923] : memref<2x8x128xi32, #tpu.memory_space<vmem>> -> memref<1x1x128xi32, #tpu.memory_space<vmem>>
      %dma_start3A_925 = tpu.memref_squeeze %dma_start3A_924 : memref<1x1x128xi32, #tpu.memory_space<vmem>> -> memref<128xi32, #tpu.memory_space<vmem>>
      %dma_start3A_926 = arith.constant 0 : i32
      %dma_start3A_927 = arith.constant 0 : i32
      %dma_start3A_928 = tpu.memref_slice %arg7[%dma_start3A_926, %dma_start3A_927] : memref<10240x128xf32, #tpu.memory_space<vmem_shared>> -> memref<10240x128xf32, #tpu.memory_space<vmem_shared>>
      tpu.enqueue_indirect_dma source(%dma_start3A_922 : memref<128x128xf32, #tpu.memory_space<vmem>>) target(%dma_start3A_928 : memref<10240x128xf32, #tpu.memory_space<vmem_shared>>) offsets(%dma_start3A_925 : memref<128xi32, #tpu.memory_space<vmem>>) semaphore(%arg13 : memref<!tpu.dma_semaphore, #tpu.memory_space<semaphore_mem>>) {add = true}
      %dma_wait3A_929 = arith.constant 1 : i32
      %dma_wait3A_930 = arith.constant 7 : i32
      %dma_wait3A_931 = arith.constant 1 : i32
      %dma_wait3A_932 = arith.constant 0 : i32
      %dma_wait3A_933 = arith.constant 0 : i32
      %dma_wait3A_934 = tpu.memref_slice %arg10[%dma_wait3A_931, %dma_wait3A_932, %dma_wait3A_933] : memref<2x128x128xf32, #tpu.memory_space<vmem>> -> memref<1x128x128xf32, #tpu.memory_space<vmem>>
      %dma_wait3A_935 = tpu.memref_squeeze %dma_wait3A_934 : memref<1x128x128xf32, #tpu.memory_space<vmem>> -> memref<128x128xf32, #tpu.memory_space<vmem>>
      %dma_wait3A_936 = arith.constant 0 : i32
      %dma_wait3A_937 = tpu.memref_slice %arg8[%dma_wait3A_929, %dma_wait3A_930, %dma_wait3A_936] : memref<2x8x128xi32, #tpu.memory_space<vmem>> -> memref<1x1x128xi32, #tpu.memory_space<vmem>>
      %dma_wait3A_938 = tpu.memref_squeeze %dma_wait3A_937 : memref<1x1x128xi32, #tpu.memory_space<vmem>> -> memref<128xi32, #tpu.memory_space<vmem>>
      %dma_wait3A_939 = arith.constant 0 : i32
      %dma_wait3A_940 = arith.constant 0 : i32
      %dma_wait3A_941 = tpu.memref_slice %arg2[%dma_wait3A_939, %dma_wait3A_940] : memref<20480x128xf32, #tpu.memory_space<hbm>> -> memref<20480x128xf32, #tpu.memory_space<hbm>>
      tpu.wait_indirect_dma semaphore(%arg12 : memref<!tpu.dma_semaphore, #tpu.memory_space<semaphore_mem>>) src(%dma_wait3A_941 : memref<20480x128xf32, #tpu.memory_space<hbm>>) dst(%dma_wait3A_935 : memref<128x128xf32, #tpu.memory_space<vmem>>)
      %dma_start3A_942 = arith.constant 1 : i32
      %dma_start3A_943 = arith.constant 1 : i32
      %dma_start3A_944 = arith.constant 7 : i32
      %dma_start3A_945 = arith.constant 0 : i32
      %dma_start3A_946 = arith.constant 0 : i32
      %dma_start3A_947 = tpu.memref_slice %arg10[%dma_start3A_942, %dma_start3A_945, %dma_start3A_946] : memref<2x128x128xf32, #tpu.memory_space<vmem>> -> memref<1x128x128xf32, #tpu.memory_space<vmem>>
      %dma_start3A_948 = tpu.memref_squeeze %dma_start3A_947 : memref<1x128x128xf32, #tpu.memory_space<vmem>> -> memref<128x128xf32, #tpu.memory_space<vmem>>
      %dma_start3A_949 = arith.constant 0 : i32
      %dma_start3A_950 = tpu.memref_slice %arg9[%dma_start3A_943, %dma_start3A_944, %dma_start3A_949] : memref<2x8x128xi32, #tpu.memory_space<vmem>> -> memref<1x1x128xi32, #tpu.memory_space<vmem>>
      %dma_start3A_951 = tpu.memref_squeeze %dma_start3A_950 : memref<1x1x128xi32, #tpu.memory_space<vmem>> -> memref<128xi32, #tpu.memory_space<vmem>>
      %dma_start3A_952 = arith.constant 0 : i32
      %dma_start3A_953 = arith.constant 0 : i32
      %dma_start3A_954 = tpu.memref_slice %arg7[%dma_start3A_952, %dma_start3A_953] : memref<10240x128xf32, #tpu.memory_space<vmem_shared>> -> memref<10240x128xf32, #tpu.memory_space<vmem_shared>>
      tpu.enqueue_indirect_dma source(%dma_start3A_948 : memref<128x128xf32, #tpu.memory_space<vmem>>) target(%dma_start3A_954 : memref<10240x128xf32, #tpu.memory_space<vmem_shared>>) offsets(%dma_start3A_951 : memref<128xi32, #tpu.memory_space<vmem>>) semaphore(%arg13 : memref<!tpu.dma_semaphore, #tpu.memory_space<semaphore_mem>>) {add = true}
      %dma_wait3A_955 = arith.constant 0 : i32
      %dma_wait3A_956 = arith.constant 1 : i32
      %dma_wait3A_957 = arith.constant 6 : i32
      %dma_wait3A_958 = arith.constant 0 : i32
      %dma_wait3A_959 = arith.constant 0 : i32
      %dma_wait3A_960 = tpu.memref_slice %arg10[%dma_wait3A_955, %dma_wait3A_958, %dma_wait3A_959] : memref<2x128x128xf32, #tpu.memory_space<vmem>> -> memref<1x128x128xf32, #tpu.memory_space<vmem>>
      %dma_wait3A_961 = tpu.memref_squeeze %dma_wait3A_960 : memref<1x128x128xf32, #tpu.memory_space<vmem>> -> memref<128x128xf32, #tpu.memory_space<vmem>>
      %dma_wait3A_962 = arith.constant 0 : i32
      %dma_wait3A_963 = tpu.memref_slice %arg9[%dma_wait3A_956, %dma_wait3A_957, %dma_wait3A_962] : memref<2x8x128xi32, #tpu.memory_space<vmem>> -> memref<1x1x128xi32, #tpu.memory_space<vmem>>
      %dma_wait3A_964 = tpu.memref_squeeze %dma_wait3A_963 : memref<1x1x128xi32, #tpu.memory_space<vmem>> -> memref<128xi32, #tpu.memory_space<vmem>>
      %dma_wait3A_965 = arith.constant 0 : i32
      %dma_wait3A_966 = arith.constant 0 : i32
      %dma_wait3A_967 = tpu.memref_slice %arg7[%dma_wait3A_965, %dma_wait3A_966] : memref<10240x128xf32, #tpu.memory_space<vmem_shared>> -> memref<10240x128xf32, #tpu.memory_space<vmem_shared>>
      tpu.wait_indirect_dma semaphore(%arg13 : memref<!tpu.dma_semaphore, #tpu.memory_space<semaphore_mem>>) src(%dma_wait3A_961 : memref<128x128xf32, #tpu.memory_space<vmem>>) dst(%dma_wait3A_967 : memref<10240x128xf32, #tpu.memory_space<vmem_shared>>)
      %dma_wait3A_968 = arith.constant 1 : i32
      %dma_wait3A_969 = arith.constant 1 : i32
      %dma_wait3A_970 = arith.constant 7 : i32
      %dma_wait3A_971 = arith.constant 0 : i32
      %dma_wait3A_972 = arith.constant 0 : i32
      %dma_wait3A_973 = tpu.memref_slice %arg10[%dma_wait3A_968, %dma_wait3A_971, %dma_wait3A_972] : memref<2x128x128xf32, #tpu.memory_space<vmem>> -> memref<1x128x128xf32, #tpu.memory_space<vmem>>
      %dma_wait3A_974 = tpu.memref_squeeze %dma_wait3A_973 : memref<1x128x128xf32, #tpu.memory_space<vmem>> -> memref<128x128xf32, #tpu.memory_space<vmem>>
      %dma_wait3A_975 = arith.constant 0 : i32
      %dma_wait3A_976 = tpu.memref_slice %arg9[%dma_wait3A_969, %dma_wait3A_970, %dma_wait3A_975] : memref<2x8x128xi32, #tpu.memory_space<vmem>> -> memref<1x1x128xi32, #tpu.memory_space<vmem>>
      %dma_wait3A_977 = tpu.memref_squeeze %dma_wait3A_976 : memref<1x1x128xi32, #tpu.memory_space<vmem>> -> memref<128xi32, #tpu.memory_space<vmem>>
      %dma_wait3A_978 = arith.constant 0 : i32
      %dma_wait3A_979 = arith.constant 0 : i32
      %dma_wait3A_980 = tpu.memref_slice %arg7[%dma_wait3A_978, %dma_wait3A_979] : memref<10240x128xf32, #tpu.memory_space<vmem_shared>> -> memref<10240x128xf32, #tpu.memory_space<vmem_shared>>
      tpu.wait_indirect_dma semaphore(%arg13 : memref<!tpu.dma_semaphore, #tpu.memory_space<semaphore_mem>>) src(%dma_wait3A_974 : memref<128x128xf32, #tpu.memory_space<vmem>>) dst(%dma_wait3A_980 : memref<10240x128xf32, #tpu.memory_space<vmem_shared>>)
      %add3A_981 = arith.constant 2 : i32
      %add3A_982 = arith.addi %add3A_530, %add3A_981 : i32
      %lt3A_983 = arith.constant 10 : i32
      %lt3A_984 = arith.cmpi slt, %add3A_982, %lt3A_983 : i32
      %convert_element_type3A_985 = arith.extui %lt3A_984 : i1 to i32
      %cond3A_986 = arith.constant 0 : i32
      %cond3A_987 = arith.cmpi ne, %convert_element_type3A_985, %cond3A_986 : i32
      scf.if %cond3A_987 {
        %add3A_988 = arith.constant 2 : i32
        %add3A_989 = arith.addi %add3A_530, %add3A_988 : i32
        %eq3A_990 = arith.constant 0 : i32
        %eq3A_991 = arith.cmpi eq, %arg0, %eq3A_990 : i32
        %convert_element_type3A_992 = arith.extui %eq3A_991 : i1 to i32
        %cond3A_993 = arith.constant 0 : i32
        %cond3A_994 = arith.cmpi ne, %convert_element_type3A_992, %cond3A_993 : i32
        scf.if %cond3A_994 {
          %mul3A_1017 = arith.constant 8 : i32
          %mul3A_1018 = arith.muli %add3A_989, %mul3A_1017 : i32
          %dma_start3A_1019 = arith.constant 1 : i32
          %dma_start3A_1020 = arith.constant 0 : i32
          %dma_start3A_1021 = arith.constant 0 : i32
          %dma_start3A_1022 = tpu.memref_slice %arg8[%dma_start3A_1019, %dma_start3A_1020, %dma_start3A_1021] : memref<2x8x128xi32, #tpu.memory_space<vmem>> -> memref<1x8x128xi32, #tpu.memory_space<vmem>>
          %dma_start3A_1023 = tpu.memref_squeeze %dma_start3A_1022 : memref<1x8x128xi32, #tpu.memory_space<vmem>> -> memref<8x128xi32, #tpu.memory_space<vmem>>
          %dma_start3A_1024 = arith.constant 0 : i32
          %dma_start3A_1025 = tpu.memref_slice %arg3[%arg1, %mul3A_1018, %dma_start3A_1024] : memref<16x80x128xi32, #tpu.memory_space<hbm>> -> memref<1x8x128xi32, #tpu.memory_space<hbm>>
          %dma_start3A_1026 = tpu.memref_squeeze %dma_start3A_1025 : memref<1x8x128xi32, #tpu.memory_space<hbm>> -> memref<8x128xi32, #tpu.memory_space<hbm>>
          %dma_start3A_1027 = arith.constant 0 : i32
          %dma_start3A_1028 = arith.constant 0 : i32
          %dma_start3A_1029 = tpu.memref_slice %arg8[%dma_start3A_1019, %dma_start3A_1027, %dma_start3A_1028] : memref<2x8x128xi32, #tpu.memory_space<vmem>> -> memref<1x8x128xi32, #tpu.memory_space<vmem>>
          %dma_start3A_1030 = tpu.memref_squeeze %dma_start3A_1029 : memref<1x8x128xi32, #tpu.memory_space<vmem>> -> memref<8x128xi32, #tpu.memory_space<vmem>>
          %dma_start3A_1031 = arith.constant 0 : i32
          %dma_start3A_1032 = tpu.memref_slice %arg3[%arg1, %mul3A_1018, %dma_start3A_1031] : memref<16x80x128xi32, #tpu.memory_space<hbm>> -> memref<1x8x128xi32, #tpu.memory_space<hbm>>
          %dma_start3A_1033 = tpu.memref_squeeze %dma_start3A_1032 : memref<1x8x128xi32, #tpu.memory_space<hbm>> -> memref<8x128xi32, #tpu.memory_space<hbm>>
          tpu.enqueue_dma source(%dma_start3A_1033 : memref<8x128xi32, #tpu.memory_space<hbm>>) target(%dma_start3A_1030 : memref<8x128xi32, #tpu.memory_space<vmem>>) target_semaphore(%arg11 : memref<!tpu.dma_semaphore, #tpu.memory_space<semaphore_mem>>)
        } else {
        }
        %ne3A_995 = arith.constant 0 : i32
        %ne3A_996 = arith.cmpi ne, %arg0, %ne3A_995 : i32
        %convert_element_type3A_997 = arith.extui %ne3A_996 : i1 to i32
        %cond3A_998 = arith.constant 0 : i32
        %cond3A_999 = arith.cmpi ne, %convert_element_type3A_997, %cond3A_998 : i32
        scf.if %cond3A_999 {
          %mul3A_1017 = arith.constant 8 : i32
          %mul3A_1018 = arith.muli %add3A_989, %mul3A_1017 : i32
          %dma_start3A_1019 = arith.constant 1 : i32
          %dma_start3A_1020 = arith.constant 0 : i32
          %dma_start3A_1021 = arith.constant 0 : i32
          %dma_start3A_1022 = tpu.memref_slice %arg8[%dma_start3A_1019, %dma_start3A_1020, %dma_start3A_1021] : memref<2x8x128xi32, #tpu.memory_space<vmem>> -> memref<1x8x128xi32, #tpu.memory_space<vmem>>
          %dma_start3A_1023 = tpu.memref_squeeze %dma_start3A_1022 : memref<1x8x128xi32, #tpu.memory_space<vmem>> -> memref<8x128xi32, #tpu.memory_space<vmem>>
          %dma_start3A_1024 = arith.constant 0 : i32
          %dma_start3A_1025 = tpu.memref_slice %arg4[%arg1, %mul3A_1018, %dma_start3A_1024] : memref<16x80x128xi32, #tpu.memory_space<hbm>> -> memref<1x8x128xi32, #tpu.memory_space<hbm>>
          %dma_start3A_1026 = tpu.memref_squeeze %dma_start3A_1025 : memref<1x8x128xi32, #tpu.memory_space<hbm>> -> memref<8x128xi32, #tpu.memory_space<hbm>>
          %dma_start3A_1027 = arith.constant 0 : i32
          %dma_start3A_1028 = arith.constant 0 : i32
          %dma_start3A_1029 = tpu.memref_slice %arg8[%dma_start3A_1019, %dma_start3A_1027, %dma_start3A_1028] : memref<2x8x128xi32, #tpu.memory_space<vmem>> -> memref<1x8x128xi32, #tpu.memory_space<vmem>>
          %dma_start3A_1030 = tpu.memref_squeeze %dma_start3A_1029 : memref<1x8x128xi32, #tpu.memory_space<vmem>> -> memref<8x128xi32, #tpu.memory_space<vmem>>
          %dma_start3A_1031 = arith.constant 0 : i32
          %dma_start3A_1032 = tpu.memref_slice %arg4[%arg1, %mul3A_1018, %dma_start3A_1031] : memref<16x80x128xi32, #tpu.memory_space<hbm>> -> memref<1x8x128xi32, #tpu.memory_space<hbm>>
          %dma_start3A_1033 = tpu.memref_squeeze %dma_start3A_1032 : memref<1x8x128xi32, #tpu.memory_space<hbm>> -> memref<8x128xi32, #tpu.memory_space<hbm>>
          tpu.enqueue_dma source(%dma_start3A_1033 : memref<8x128xi32, #tpu.memory_space<hbm>>) target(%dma_start3A_1030 : memref<8x128xi32, #tpu.memory_space<vmem>>) target_semaphore(%arg11 : memref<!tpu.dma_semaphore, #tpu.memory_space<semaphore_mem>>)
        } else {
        }
        %mul3A_1000 = arith.constant 8 : i32
        %mul3A_1001 = arith.muli %add3A_989, %mul3A_1000 : i32
        %dma_start3A_1002 = arith.constant 1 : i32
        %dma_start3A_1003 = arith.constant 0 : i32
        %dma_start3A_1004 = arith.constant 0 : i32
        %dma_start3A_1005 = tpu.memref_slice %arg9[%dma_start3A_1002, %dma_start3A_1003, %dma_start3A_1004] : memref<2x8x128xi32, #tpu.memory_space<vmem>> -> memref<1x8x128xi32, #tpu.memory_space<vmem>>
        %dma_start3A_1006 = tpu.memref_squeeze %dma_start3A_1005 : memref<1x8x128xi32, #tpu.memory_space<vmem>> -> memref<8x128xi32, #tpu.memory_space<vmem>>
        %dma_start3A_1007 = arith.constant 0 : i32
        %dma_start3A_1008 = tpu.memref_slice %arg5[%arg1, %mul3A_1001, %dma_start3A_1007] : memref<16x80x128xi32, #tpu.memory_space<hbm>> -> memref<1x8x128xi32, #tpu.memory_space<hbm>>
        %dma_start3A_1009 = tpu.memref_squeeze %dma_start3A_1008 : memref<1x8x128xi32, #tpu.memory_space<hbm>> -> memref<8x128xi32, #tpu.memory_space<hbm>>
        %dma_start3A_1010 = arith.constant 0 : i32
        %dma_start3A_1011 = arith.constant 0 : i32
        %dma_start3A_1012 = tpu.memref_slice %arg9[%dma_start3A_1002, %dma_start3A_1010, %dma_start3A_1011] : memref<2x8x128xi32, #tpu.memory_space<vmem>> -> memref<1x8x128xi32, #tpu.memory_space<vmem>>
        %dma_start3A_1013 = tpu.memref_squeeze %dma_start3A_1012 : memref<1x8x128xi32, #tpu.memory_space<vmem>> -> memref<8x128xi32, #tpu.memory_space<vmem>>
        %dma_start3A_1014 = arith.constant 0 : i32
        %dma_start3A_1015 = tpu.memref_slice %arg5[%arg1, %mul3A_1001, %dma_start3A_1014] : memref<16x80x128xi32, #tpu.memory_space<hbm>> -> memref<1x8x128xi32, #tpu.memory_space<hbm>>
        %dma_start3A_1016 = tpu.memref_squeeze %dma_start3A_1015 : memref<1x8x128xi32, #tpu.memory_space<hbm>> -> memref<8x128xi32, #tpu.memory_space<hbm>>
        tpu.enqueue_dma source(%dma_start3A_1016 : memref<8x128xi32, #tpu.memory_space<hbm>>) target(%dma_start3A_1013 : memref<8x128xi32, #tpu.memory_space<vmem>>) target_semaphore(%arg11 : memref<!tpu.dma_semaphore, #tpu.memory_space<semaphore_mem>>)
      } else {
      }
    }
    %scan3A_63 = arith.constant 5 : i32
    %barrier3A_64 = arith.constant 0 : index
    tpu.barrier barrier_id(%barrier3A_64)
    %mul3A_65 = arith.constant 10240 : i32
    %mul3A_66 = arith.muli %arg0, %mul3A_65 : i32
    %add3A_67 = arith.addi %mul3A_66, %mul3A_0 : i32
    "tpu.region"() ({
      %run_scoped3A = tpu.sem_alloc : memref<!tpu.dma_semaphore, #tpu.memory_space<semaphore_mem>>
      %dma_start3A_68 = arith.constant 0 : i32
      %dma_start3A_69 = tpu.memref_slice %arg6[%add3A_67, %dma_start3A_68] : memref<20480x128xf32, #tpu.memory_space<hbm>> -> memref<640x128xf32, #tpu.memory_space<hbm>>
      %dma_start3A_70 = arith.constant 0 : i32
      %dma_start3A_71 = tpu.memref_slice %arg7[%mul3A_0, %dma_start3A_70] : memref<10240x128xf32, #tpu.memory_space<vmem_shared>> -> memref<640x128xf32, #tpu.memory_space<vmem_shared>>
      tpu.enqueue_dma source(%dma_start3A_71 : memref<640x128xf32, #tpu.memory_space<vmem_shared>>) target(%dma_start3A_69 : memref<640x128xf32, #tpu.memory_space<hbm>>) target_semaphore(%run_scoped3A : memref<!tpu.dma_semaphore, #tpu.memory_space<semaphore_mem>>)
      %dma_wait3A_72 = arith.constant 0 : i32
      %dma_wait3A_73 = tpu.memref_slice %arg6[%add3A_67, %dma_wait3A_72] : memref<20480x128xf32, #tpu.memory_space<hbm>> -> memref<640x128xf32, #tpu.memory_space<hbm>>
      %dma_wait3A_74 = arith.constant 0 : i32
      %dma_wait3A_75 = tpu.memref_slice %arg7[%mul3A_0, %dma_wait3A_74] : memref<10240x128xf32, #tpu.memory_space<vmem_shared>> -> memref<640x128xf32, #tpu.memory_space<vmem_shared>>
      tpu.wait_dma2 semaphore(%run_scoped3A : memref<!tpu.dma_semaphore, #tpu.memory_space<semaphore_mem>>) src(%dma_wait3A_75 : memref<640x128xf32, #tpu.memory_space<vmem_shared>>) dst(%dma_wait3A_73 : memref<640x128xf32, #tpu.memory_space<hbm>>)
      tpu.yield
    }) : () -> ()
    return
  }
}

module attributes {stable_mosaic.version = 14 : i64} {
  func.func @mm_body(%arg0: i32, %arg1: memref<1000x256xf32, #tpu.memory_space<vmem>>, %arg2: memref<1000x128xf32, #tpu.memory_space<vmem>>, %arg3: memref<1000x128xf32, #tpu.memory_space<vmem>>, %arg4: memref<256x256xf32, #tpu.memory_space<vmem>>, %arg5: memref<1000x256xf32, #tpu.memory_space<vmem>>) attributes {dimension_semantics = [#tpu.dimension_semantics<arbitrary>], iteration_bounds = array<i64: 10>, scalar_prefetch = 0 : i64, scratch_operands = 0 : i64, tpu.core_type = #tpu.core_type<tc>, window_params = [{transform_indices = @transform_0, window_bounds = array<i64: 1000, 256>}, {transform_indices = @transform_1, window_bounds = array<i64: 1000, 128>}, {transform_indices = @transform_2, window_bounds = array<i64: 1000, 128>}, {pipeline_mode = #tpu.pipeline_mode<synchronous>, transform_indices = @transform_3, window_bounds = array<i64: 256, 256>}, {transform_indices = @transform_4, window_bounds = array<i64: 1000, 256>}]} {
    %get3A = arith.constant 0 : index
    %get3A_0 = arith.constant 0 : index
    %get3A_1 = vector.load %arg1[%get3A, %get3A_0] : memref<1000x256xf32, #tpu.memory_space<vmem>>, vector<1000x256xf32>
    %get3A_2 = arith.constant 0 : index
    %get3A_3 = arith.constant 0 : index
    %get3A_4 = vector.load %arg2[%get3A_2, %get3A_3] : memref<1000x128xf32, #tpu.memory_space<vmem>>, vector<1000x128xf32>
    %slice3A = vector.extract_strided_slice %get3A_1 {offsets = [0, 0], sizes = [1000, 128], strides = [1, 1]} : vector<1000x256xf32> to vector<1000x128xf32>
    %mul3A = arith.constant 5.000000e-01 : f32
    %mul3A_5 = vector.broadcast %mul3A : f32 to vector<1000x128xf32>
    %mul3A_6 = arith.mulf %mul3A_5, %slice3A : vector<1000x128xf32>
    %add3A = arith.addf %get3A_4, %mul3A_6 : vector<1000x128xf32>
    %get3A_7 = arith.constant 0 : index
    %get3A_8 = arith.constant 0 : index
    %get3A_9 = vector.load %arg3[%get3A_7, %get3A_8] : memref<1000x128xf32, #tpu.memory_space<vmem>>, vector<1000x128xf32>
    %slice3A_10 = vector.extract_strided_slice %get3A_1 {offsets = [0, 128], sizes = [1000, 128], strides = [1, 1]} : vector<1000x256xf32> to vector<1000x128xf32>
    %mul3A_11 = arith.constant 5.000000e-01 : f32
    %mul3A_12 = vector.broadcast %mul3A_11 : f32 to vector<1000x128xf32>
    %mul3A_13 = arith.mulf %mul3A_12, %slice3A_10 : vector<1000x128xf32>
    %add3A_14 = arith.addf %get3A_9, %mul3A_13 : vector<1000x128xf32>
    %get3A_15 = arith.constant 0 : index
    %get3A_16 = arith.constant 0 : index
    %get3A_17 = vector.load %arg4[%get3A_15, %get3A_16] : memref<256x256xf32, #tpu.memory_space<vmem>>, vector<128x256xf32>
    %dot_general3A = arith.constant dense<0.000000e+00> : vector<1000x256xf32>
    %dot_general3A_18 = tpu.matmul %add3A, %get3A_17, %dot_general3A {dimension_numbers = #tpu.dot_dimension_numbers<[1], [0], [0], [1], [0, 0, 1, 1], [], []>, transpose_lhs_hint = false} : vector<1000x128xf32>, vector<128x256xf32>, vector<1000x256xf32> -> vector<1000x256xf32>
    %get3A_19 = arith.constant 128 : index
    %get3A_20 = arith.constant 0 : index
    %get3A_21 = vector.load %arg4[%get3A_19, %get3A_20] : memref<256x256xf32, #tpu.memory_space<vmem>>, vector<128x256xf32>
    %dot_general3A_22 = arith.constant dense<0.000000e+00> : vector<1000x256xf32>
    %dot_general3A_23 = tpu.matmul %add3A_14, %get3A_21, %dot_general3A_22 {dimension_numbers = #tpu.dot_dimension_numbers<[1], [0], [0], [1], [0, 0, 1, 1], [], []>, transpose_lhs_hint = false} : vector<1000x128xf32>, vector<128x256xf32>, vector<1000x256xf32> -> vector<1000x256xf32>
    %add3A_24 = arith.addf %dot_general3A_18, %dot_general3A_23 : vector<1000x256xf32>
    %swap3A = arith.constant 0 : index
    %swap3A_25 = arith.constant 0 : index
    %swap3A_26 = vector.load %arg5[%swap3A, %swap3A_25] : memref<1000x256xf32, #tpu.memory_space<vmem>>, vector<1000x256xf32>
    tpu.vector_store %arg5[%swap3A, %swap3A_25], %add3A_24 {strides = array<i32>} : memref<1000x256xf32, #tpu.memory_space<vmem>>, vector<1000x256xf32>,
    return
  }
  func.func @transform_0(%arg0: i32) -> (i32, i32) {
    %c0_i32 = arith.constant 0 : i32
    %c0_i32_0 = arith.constant 0 : i32
    return %arg0, %c0_i32 : i32, i32
  }
  func.func @transform_1(%arg0: i32) -> (i32, i32) {
    %c0_i32 = arith.constant 0 : i32
    %c0_i32_0 = arith.constant 0 : i32
    return %arg0, %c0_i32 : i32, i32
  }
  func.func @transform_2(%arg0: i32) -> (i32, i32) {
    %c0_i32 = arith.constant 0 : i32
    %c0_i32_0 = arith.constant 0 : i32
    return %arg0, %c0_i32 : i32, i32
  }
  func.func @transform_3(%arg0: i32) -> (i32, i32) {
    %c0_i32 = arith.constant 0 : i32
    %c0_i32_0 = arith.constant 0 : i32
    %c0_i32_1 = arith.constant 0 : i32
    return %c0_i32, %c0_i32_0 : i32, i32
  }
  func.func @transform_4(%arg0: i32) -> (i32, i32) {
    %c0_i32 = arith.constant 0 : i32
    %c0_i32_0 = arith.constant 0 : i32
    return %arg0, %c0_i32 : i32, i32
  }
}

</mosaic_0001>

<sc_bundles>
// kernel: kernel.4.cloned.1.call-start
scs
__scs_entry_jumppad:
0x0: {  	(pc) =	sbr.rel $0x88, $3  }
0x1: {  	(tag) =	ssettag $0x0;
	lr =	simm.s32 $0x1  }
0x2: {  	[smem:$0x3F9E] =	sst lr;
	_ =	strace $0xD0000000  }
0x3: {  	_ = 	snop  }
0x4: {  	_ = 	snop  }
0x5: {  	_ = 	snop  }
0x6: {  	_ = 	snop  }
0x7: {  	_ = 	snop  }
__scs_overlays_trampoline_lowered:
0x8: {  	[smem:$0x3FAD] =	sst s0  }
0x9: {  	[smem:$0x3FAE] =	sst s1  }
0xa: {  	[smem:$0x3FAF] =	sst s2  }
0xb: {  	[smem:$0x3FB0] =	sst s3  }
0xc: {  	[smem:$0x3FB1] =	sst s4  }
0xd: {  	[smem:$0x3FB2] =	sst s5  }
0xe: {  	[smem:$0x3FB3] =	sst s6  }
0xf: {  	[smem:$0x3FB4] =	sst s7  }
0x10: {  	[smem:$0x3FB5] =	sst s8  }
0x11: {  	[smem:$0x3FB6] =	sst s9;
	s0 =	simm.s32 @!p0 $0x0  }
0x12: {  	s1 =	sld [smem:$0x3F9C];
	s0 =	simm.s32 @p0 $0x1  }
0x13: {  	[smem:$0x3FB7] =	sst s0;
	s0 =	simm.s32 @!p1 $0x0  }
0x14: {  	s2 =	sld [smem:$0x3F9B];
	s0 =	simm.s32 @p1 $0x1  }
0x15: {  	[smem:$0x3FB8] =	sst s0;
	s0 =	simm.s32 @!p2 $0x0  }
0x16: {  	s3 =	sld [smem:$0x3FDB];
	s0 =	simm.s32 @p2 $0x1  }
0x17: {  	s4 =	simm.s32 $0x1BF5;
	[smem:$0x3FBA] =	sst s0  }
0x18: {  	s0 =	sld [smem:$0x3F9D];
	_ =	swait.ge [sflag:s4], $0x0  }
0x19: {  	s7 =	sld [smem:$0x3F9E]  }
0x1a: {  	s8 =	sadd.s32 $0xFFFFE003, lr  }
0x1b: {  	s9 =	sadd.s32 $0xFFFFFEF7, lr;
	s5 =	simm.s32 $0xFFFFFFFF;
	p2 =	slt.u32 s8, $0xFFFFF086  }
0x1c: {  	p1 =	slt.u32 s9, $0xF7A;
	s5 =	simm.s32 @!p2 $0x0  }
0x1d: {  	s5 =	simm.s32 @p1 $0x1;
	p0 =	seq.s32 s7, s2  }
0x1e: {  	s7 =	smul.u32 @!p0 $0xF7A, s2;
	p2 =	seq.s32 @!p0 s5, $0x0  }
0x1f: {  	s9 =	smul.u32 $0xF7A, s1;
	s8 =	simm.s32 @!p0 $0x1BF5;
	p2 =	por !p2, p0  }
0x20: {  	[sflag:s8] =	ssyncset.s32 @!p0 $0xFFFFF086;
	s6 =	sadd.s32 @!p0 s3, s7;
	s7 =	simm.s32 @!p0 $0x108  }
0x21: {  	s3 =	sadd.s32 s3, s9;
	s6 =	sadd.s32 @!p0 $0x88, s6;
	s7 =	simm.s32 @p2 $0x1082  }
0x22: {  	[simem:s7], [sflag:s8] =	dma.local @!p0 [hbm:s6], $0xF7A  }
0x23: {  	s9 =	sor.u32 $0xD0000000, s2;
	s6 =	simm.s32 $0x108;
	_ =	swait.ge @!p0 [sflag:s8], $0x0  }
0x24: {  	s3 =	sadd.s32 $0x88, s3;
	s6 =	simm.s32 @!p1 $0x1082;
	[sflag:s4] =	ssyncset.s32 $0xFFFFF086  }
0x25: {  	[simem:s6], [sflag:s4] =	dma.local [hbm:s3], $0xF7A  }
0x26: {  	[smem:$0x3F9E] =	sst s1;
	(tag) =	ssettag s2;
	_ =	strace s9  }
0x27: {  	s1 =	sld [smem:$0x3FAE]  }
0x28: {  	s2 =	sld [smem:$0x3FAF]  }
0x29: {  	s4 =	sld [smem:$0x3FB1]  }
0x2a: {  	p0 =	seq.s32 s5, $0x0;
	s5 =	sld [smem:$0x3FB2]  }
0x2b: {  	s6 =	sld [smem:$0x3FB3]  }
0x2c: {  	s7 =	sld [smem:$0x3FB4]  }
0x2d: {  	s3 =	simm.s32 $0x108;
	s8 =	sld [smem:$0x3FB5]  }
0x2e: {  	s3 =	simm.s32 @!p0 $0x1082;
	s9 =	sld [smem:$0x3FB6]  }
0x2f: {  	lr =	sadd.s32 s0, s3;
	s0 =	sld [smem:$0x3FAD]  }
0x30: {  	s3 =	sld [smem:$0x3FB0]  }
0x31: {  	[smem:$0x3FB9] =	sst s10  }
0x32: {  	s10 =	sld [smem:$0x3FB7];
	_ =	sdelay $0x3  }
0x33: {  	p0 =	seq.s32 s10, $0x1;
	s10 =	sld [smem:$0x3FB9];
	_ =	sdelay $0x3  }
0x34: {  	[smem:$0x3FB9] =	sst s10  }
0x35: {  	s10 =	sld [smem:$0x3FB8];
	_ =	sdelay $0x3  }
0x36: {  	p1 =	seq.s32 s10, $0x1;
	s10 =	sld [smem:$0x3FB9];
	_ =	sdelay $0x3  }
0x37: {  	[smem:$0x3FB9] =	sst s10  }
0x38: {  	s10 =	sld [smem:$0x3FBA]  }
0x39: {  	_ = 	snop;
	(pc) =	sbr.ind lr, $3  }
0x3a: {  	_ = 	snop  }
0x3b: {  	_ = 	snop  }
0x3c: {  	p2 =	seq.s32 s10, $0x1;
	s10 =	sld [smem:$0x3FB9]  }
0x3d: {  	_ =	shalt  }
0x3e: {  	_ =	shalt  }
0x3f: {  	_ =	shalt  }
0x40: {  	_ =	shalt  }
0x41: {  	_ =	shalt  }
0x42: {  	_ =	shalt  }
0x43: {  	_ =	shalt  }
0x44: {  	_ =	shalt  }
0x45: {  	_ =	shalt  }
0x46: {  	_ =	shalt  }
0x47: {  	_ =	shalt  }
0x48: {  	_ =	shalt  }
0x49: {  	_ =	shalt  }
0x4a: {  	_ =	shalt  }
0x4b: {  	_ =	shalt  }
0x4c: {  	_ =	shalt  }
0x4d: {  	_ =	shalt  }
0x4e: {  	_ =	shalt  }
0x4f: {  	_ =	shalt  }
0x50: {  	_ =	shalt  }
0x51: {  	_ =	shalt  }
0x52: {  	_ =	shalt  }
0x53: {  	_ =	shalt  }
0x54: {  	_ =	shalt  }
0x55: {  	_ =	shalt  }
0x56: {  	_ =	shalt  }
0x57: {  	_ =	shalt  }
0x58: {  	_ =	shalt  }
0x59: {  	_ =	shalt  }
0x5a: {  	_ =	shalt  }
0x5b: {  	_ =	shalt  }
0x5c: {  	_ =	shalt  }
0x5d: {  	_ =	shalt  }
0x5e: {  	_ =	shalt  }
0x5f: {  	_ =	shalt  }
0x60: {  	_ =	shalt  }
0x61: {  	_ =	shalt  }
0x62: {  	_ =	shalt  }
0x63: {  	_ =	shalt  }
0x64: {  	_ =	shalt  }
0x65: {  	_ =	shalt  }
0x66: {  	_ =	shalt  }
0x67: {  	_ =	shalt  }
0x68: {  	_ =	shalt  }
0x69: {  	_ =	shalt  }
0x6a: {  	_ =	shalt  }
0x6b: {  	_ =	shalt  }
0x6c: {  	_ =	shalt  }
0x6d: {  	_ =	shalt  }
0x6e: {  	_ =	shalt  }
0x6f: {  	_ =	shalt  }
0x70: {  	_ =	shalt  }
0x71: {  	_ =	shalt  }
0x72: {  	_ =	shalt  }
0x73: {  	_ =	shalt  }
0x74: {  	_ =	shalt  }
0x75: {  	_ =	shalt  }
0x76: {  	_ =	shalt  }
0x77: {  	_ =	shalt  }
0x78: {  	_ =	shalt  }
0x79: {  	_ =	shalt  }
0x7a: {  	_ =	shalt  }
0x7b: {  	_ =	shalt  }
0x7c: {  	_ =	shalt  }
0x7d: {  	_ =	shalt  }
0x7e: {  	_ =	shalt  }
0x7f: {  	_ =	shalt  }
0x80: {  	_ =	shalt  }
0x81: {  	_ =	shalt  }
0x82: {  	_ =	shalt  }
0x83: {  	_ =	shalt  }
0x84: {  	_ =	shalt  }
0x85: {  	_ =	shalt  }
0x86: {  	_ =	shalt  }
0x87: {  	_ =	shalt  }
.Lfunc_end0:
.L_simem_size_0:
called_computation_lowered:
.L_overlay_start_0:
0x88: {  	s2 =	sld [smem:$0x3FD9]  }
0x89: {  	s3 =	sld [smem:$0x3FFE];
	_ =	sdelay $0x1  }
0x8a: {  	s1 =	srdreg.scid  }
0x8b: {  	s0 =	sand.u32 $0x1, s1  }
0x8c: {  	s17 =	sshll.u32 s0, $0xA;
	s2 =	sadd.s32 s3, s2  }
0x8d: {  	s2 =	sadd.s32 s2, s17  }
0x8e: {  	[smem:$0x3FC5] =	sst s2  }
0x8f: {  	_ = 	snop  }
0x90: {  	s2 =	sld [smem:$0x3FD0];
	(tm) =	ssettm $0x1  }
0x91: {  	s18 =	sld [smem:$0x3FFB];
	_ =	sdelay $0x3  }
0x92: {  	_ =	strace s18  }
0x93: {  	s3 =	sld [smem:$0x3FFC];
	_ =	sdelay $0x3  }
0x94: {  	_ =	strace s3  }
0x95: {  	s3 =	sld [smem:$0x3FFD];
	_ =	sdelay $0x3  }
0x96: {  	_ =	strace s3  }
0x97: {  	_ =	strace $0x8FFFFFFF  }
0x98: {  	s19 =	sld [smem:$0x3FDB];
	_ =	sdelay $0x1  }
0x99: {  	s4 =	simm.s32 $_scs_section_size  }
0x9a: {  	s5 =	simm.s32 $_size__tile_overlayer_lowered;
	s6 =	simm.s32 $_tile_overlayer_lowered  }
0x9b: {  	s22 =	simm.s32 $0x1BFF;
	s21 =	sshll.u32 s6, $0x1;
	s3 =	sadd.s32 s4, s19  }
0x9c: {  	s7 =	simm.s32 $0x0;
	s20 =	sshll.u32 s5, $0x1;
	s5 =	sadd.s32 s21, s3  }
0x9d: {  	[timem:s7], [sflag:s22] =	dma.local [hbm:s5], s20  }
0x9e: {  	_ =	swait.ge [sflag:s22], s20  }
0x9f: {  	s4 =	ssub.s32 $0x0, s20;
	[sflag:s22] =	ssyncset.done $0x0  }
0xa0: {  	[sflag:s22] =	ssyncadd.s32 s4;
	_ =	sdelay $0x1  }
0xa1: {  	s23 =	simm.s32 $0x1B8B  }
0xa2: {  	_ =	swait.ge [sflag:s23], $0x1  }
0xa3: {  	[sflag:s23] =	ssyncset.done $0x0  }
0xa4: {  	s25 =	simm.s32 $0x1B8E;
	s24 =	sld [smem:$0x3FFE];
	[sflag:s23] =	ssyncadd.s32 $0xFFFFFFFF  }
0xa5: {  	s26 =	simm.s32 $execute0_lowered;
	[smem:$0x3FD2] =	sst s25  }
0xa6: {  	s5 =	sshll.u32 s26, $0x1;
	_ =	strace $0x80000046;
	[dreg:$0x1] =	wrdreg $0xFFFFFFFF  }
0xa7: {  	s28 =	simm.s32 $_size_execute0_lowered;
	s3 =	sadd.s32 s3, s5;
	[dreg:$0x0] =	wrdreg $0x0  }
0xa8: {  	s5 =	sshll.u32 s28, $0x1;
	[dreg:$0x2] =	wrdreg s3  }
0xa9: {  	[dreg:$0x3] =	wrdreg s5  }
0xaa: {  	[dreg:$0x4] =	wrdreg $0xC0  }
0xab: {  	_ =	task [dreg:s7], $0x5FFFF  }
0xac: {  	[dreg:$0x1] =	wrdreg $0xFFFFFFFF  }
0xad: {  	[dreg:$0x0] =	wrdreg $0x60  }
0xae: {  	[dreg:$0x2] =	wrdreg s24  }
0xaf: {  	[dreg:$0x3] =	wrdreg s2  }
0xb0: {  	[dreg:$0x4] =	wrdreg $0x0  }
0xb1: {  	[dreg:$0x5] =	wrdreg $0x9  }
0xb2: {  	_ =	task.clear_ibuf [dreg:s7], $0x6FFFF;
	_ =	strace $0x90000046  }
0xb3: {  	s29 =	simm.s32 $0x9;
	_ =	strace $0x80000048  }
0xb4: {  	_ =	swait.ge [sflag:s29], $0x1  }
0xb5: {  	[sflag:s29] =	ssyncadd.s32 $0xFFFFFFFF  }
0xb6: {  	_ =	strace $0x90000048  }
0xb7: {  	_ =	sfence  }
0xb8: {  	s30 =	sld [smem:$0x0];
	_ =	sdelay $0x2  }
0xb9: {  	s31 =	sshll.u32 s1, $0xD;
	s1 =	sshrl.u32 s1, $0x2  }
0xba: {  	s3 =	sand.u32 $0x4000, s31;
	s1 =	sadd.s32 s1, s30  }
0xbb: {  	s0 =	sor.u32 s3, s0;
	s1 =	sshll.u32 s1, $0x11  }
0xbc: {  	s0 =	sor.u32 s1, s0  }
0xbd: {  	s0 =	sadd.s32 $0x8F2B, s0  }
0xbe: {  	[sflag:s0] =	ssyncadd.remote.s32 $0x1  }
0xbf: {  	_ =	sfence.sel $0xFFFF  }
0xc0: {  	[dreg:$0x0] =	wrdreg $0xFFFFFFFF;
	(pc) =	sbr.abs _section_cstart, $3  }
0xc1: {  	[dreg:$0x1] =	wrdreg $0xFFFFFFFF  }
0xc2: {  	_ =	task.clear_ibuf [dreg:s7], $0x2FFFF;
	_ =	strace $0x9FFFFFFF  }
0xc3: {  	(tm) =	ssettm $0x7FFFFFFF  }
tec
execute0_lowered:
.L_overlay_start_1:
0x0: {  	(tag) =	ssettag $0x1  }
0x1: {  	s0 =	rddreg [dreg:$0x0]  }
0x2: {  	s2 =	rddreg [dreg:$0x1]  }
0x3: {  	s1 =	rddreg [dreg:$0x2];
	s3 =	srdreg.scid  }
0x4: {  	s12 =	stileid.u32;
	s18 =	simm.s32 $0x14400;
	s15 =	simm.s32 $0x14500  }
0x5: {  	s16 =	simm.s32 $0x14C80;
	s17 =	simm.s32 $0x14D00;
	s28 =	simm.s32 $0x14600  }
0x6: {  	s29 =	simm.s32 $0x14D80;
	s30 =	simm.s32 $0x14680;
	s7 =	smul.u32 $0x280, s12  }
0x7: {  	s31 =	simm.s32 $0x14E00;
	s13 =	simm.s32 $0x0;
	s9 =	smul.u32 $0x50000, s12  }
0x8: {  	s5 =	sand.u32 $0x1, s3;
	s3 =	simm.s32 $0x0;
	s20 =	smul.u32 $0x2800, s12  }
0x9: {  	s4 =	sadd.s32 $0x5E00, s0;
	s8 =	sadd.s32 $0xE00, s0;
	s23 =	smul.u32 $0x500, s12  }
0xa: {  	s10 =	sadd.s32 $0x55E00, s0;
	s21 =	sshll.u32 s12, $0x6;
	s6 =	smul.u32 $0x2800, s5  }
0xb: {  	[smem:$0x7FF] =	sst s3;
	s19 =	ssub.s32 $0x2, s5;
	p0 =	seq.s32 s5, $0x0  }
0xc: {  	s5 =	simm.s32 $0x14780;
	_ =	strace $0x80000047;
	s11 =	sshrl.u32 s19, $0x1  }
0xd: {  	s9 =	sshrl.u32 s9, $0x2;
	[dreg:$0x5] =	wrdreg s21;
	s22 =	sshrl.u32 s20, $0x3  }
0xe: {  	s2 =	smov.u32 @p0 s8;
	s14 =	sadd.s32 s23, s10;
	s20 =	simm.s32 $0x2  }
0xf: {  	s8 =	simm.s32 $0x14480;
	s6 =	sadd.s32 s7, s6;
	s7 =	ssub.s32 s19, s11  }
0x10: {  	s9 =	sadd.s32 s9, s1;
	s11 =	sadd.s32 s10, s22;
	s25 =	sadd.s32 s22, s2  }
0x11: {  	s12 =	sadd.s32 s2, s23;
	s19 =	simm.s32 $0x14C00;
	s22 =	simm.s32 $0x80  }
0x12: {  	s23 =	simm.s32 $0x15000;
	s2 =	simm.s32 $0x14E80;
	s6 =	sshll.u32 s6, $0x4  }
0x13: {  	[dreg:$0x7] =	wrdreg s11;
	s24 =	sadd.s32 $0x80, s11;
	s26 =	smax.u32 s7, $0x1  }
0x14: {  	s11 =	sshrl.u32 s9, $0x3;
	s7 =	simm.s32 $0x14F00;
	[dreg:$0x8] =	wrdreg s24  }
0x15: {  	s9 =	simm.s32 $0x14F80;
	s0 =	sadd.s32 s6, s0;
	[dreg:$0xa] =	wrdreg s26  }
.Ltmp0:
0x16: {  	s6 =	sadd.s32 s4, s6;
	[dreg:$0xc] =	wrdreg s11;
	(pc) =	sbr.rel .LBB2_1-.Ltmp0, $4  }
0x17: {  	s26 =	simm.s32 $0x3;
	[dreg:$0x4] =	wrdreg s6;
	s6 =	sor.u32 $0x1C02, s21  }
0x18: {  	s24 =	simm.s32 $0x14580;
	s0 =	sadd.s32 $0x5AE00, s0;
	[dreg:$0x6] =	wrdreg s6  }
0x19: {  	s21 =	simm.s32 $0x1;
	[dreg:$0x9] =	wrdreg s0;
	s0 =	sadd.s32 $0x80, s25  }
0x1a: {  	s25 =	simm.s32 $0x19000;
	[dreg:$0xb] =	wrdreg s0;
	s0 =	simm.s32 $0x14700  }
.LBB2_4:
0x1b: {  	[bflag:$0x0] =	sbarrier.arrive $0xFFFF  }
0x1c: {  	s6 =	rddreg [dreg:$0x5]  }
0x1d: {  	s10 =	rddreg [dreg:$0x9]  }
0x1e: {  	s11 =	rddreg [dreg:$0xc];
	s6 =	sor.u32 $0x1C04, s6  }
0x1f: {  	[hbm:s10], [sflag:s6] =	dma.local [spmem:s11], $0x2800  }
0x20: {  	s10 =	simm.s32 $0x4  }
0x21: {  	_ =	swait.ge [sflag:s10], $0x2800  }
0x22: {  	s13 =	rddreg [dreg:$0xd]  }
0x23: {  	s6 =	rddreg [dreg:$0xa];
	s13 =	sadd.s32 $0x1, s13  }
0x24: {  	p0 =	sne.s32 s13, s6  }
.Ltmp1:
0x25: {  	_ = 	snop;
	(pc) =	sbr.rel @!p0 .LBB2_5-.Ltmp1, $3  }
0x26: {  	_ =	sdelay $0x1  }
0x27: {  	[sflag:s10] =	ssyncset.done $0x0  }
0x28: {  	[sflag:s10] =	ssyncadd.s32 $0xFFFFD800  }
.LBB2_1:
0x29: {  	[dreg:$0xd] =	wrdreg s13  }
0x2a: {  	s6 =	rddreg [dreg:$0x4]  }
0x2b: {  	s10 =	rddreg [dreg:$0x6]  }
0x2c: {  	[spmem:s11], [sflag:s10] =	dma.local [hbm:s6], $0x2800  }
0x2d: {  	s10 =	simm.s32 $0x14000  }
0x2e: {  	[tilespmem:s10], [sflag:$0x1] =	stream.linear.gather [hbm4b:s12+s3], $0x400, $0x38;
	[tilespmem:$0x1D000] =	vst v63  }
0x2f: {  	s13 =	simm.s32 $0x14800;
	s11 =	rddreg [dreg:$0x7]  }
0x30: {  	[tilespmem:s13], [sflag:$0x1] =	stream.linear.gather [hbm4b:s11+s3], $0x400, $0x38;
	[tilespmem:$0x1D000] =	vst v63  }
0x31: {  	s11 =	rddreg [dreg:$0xb]  }
0x32: {  	[tilespmem:s18], [sflag:$0x1] =	stream.linear.gather [hbm4b:s11+s3], $0x400, $0x38;
	[tilespmem:$0x1D000] =	vst v63  }
0x33: {  	s13 =	rddreg [dreg:$0x8]  }
0x34: {  	[tilespmem:s19], [sflag:$0x1] =	stream.linear.gather [hbm4b:s13+s3], $0x400, $0x38;
	[tilespmem:$0x1D000] =	vst v63  }
0x35: {  	_ =	swait.ge [sflag:s20], $0x2800  }
0x36: {  	[sflag:s20] =	ssyncset.done $0x0  }
0x37: {  	[sflag:s20] =	ssyncadd.s32 $0xFFFFD800  }
0x38: {  	s6 =	simm.s32 $0xFFFFFC00;
	[bflag:$0x0] =	sbarrier.arrive $0xFFFF  }
.LBB2_2:
0x39: {  	_ =	swait.ge [sflag:s21], $0x400  }
0x3a: {  	[sflag:s21] =	ssyncset.done $0x0  }
0x3b: {  	[sflag:s21] =	ssyncadd.s32 $0xFFFFFC00  }
0x3c: {  	_ =	swait.ge [sflag:s21], $0x400  }
0x3d: {  	[sflag:s21] =	ssyncset.done $0x0  }
0x3e: {  	s10 =	simm.s32 $0x14000;
	[sflag:s21] =	ssyncadd.s32 $0xFFFFFC00  }
0x3f: {  	[tilespmem:s23], [sflag:$0x2] =	stream.indirect.gather [hbm4b:s4+s22], $0x80, s10, s22, $0xb8;
	[tilespmem:$0x1D000] =	vst v63  }
0x40: {  	s13 =	simm.s32 $0x14080  }
0x41: {  	[tilespmem:s25], [sflag:$0x2] =	stream.indirect.gather [hbm4b:s4+s22], $0x80, s13, s22, $0xb8;
	[tilespmem:$0x1D000] =	vst v63  }
0x42: {  	_ =	swait.ge [sflag:s20], $0x4000  }
0x43: {  	[sflag:s20] =	ssyncset.done $0x0  }
0x44: {  	s11 =	simm.s32 $0x14800;
	[sflag:s20] =	ssyncadd.s32 $0xFFFFC000  }
0x45: {  	[spmem:s1] =	stream.indirect.scatter.add.f32 [tilespmem:s23], [sflag:$0x3], $0x80, s11, s22, $0xb8;
	[tilespmem:$0x1D000] =	vst v63  }
0x46: {  	_ =	swait.ge [sflag:s26], $0x4000  }
0x47: {  	[sflag:s26] =	ssyncset.done $0x0  }
0x48: {  	s13 =	simm.s32 $0x14100;
	[sflag:s26] =	ssyncadd.s32 $0xFFFFC000  }
0x49: {  	[tilespmem:s23], [sflag:$0x2] =	stream.indirect.gather [hbm4b:s4+s22], $0x80, s13, s22, $0xb8;
	[tilespmem:$0x1D000] =	vst v63  }
0x4a: {  	_ =	swait.ge [sflag:s20], $0x4000  }
0x4b: {  	[sflag:s20] =	ssyncset.done $0x0  }
0x4c: {  	s11 =	simm.s32 $0x14880;
	[sflag:s20] =	ssyncadd.s32 $0xFFFFC000  }
0x4d: {  	[spmem:s1] =	stream.indirect.scatter.add.f32 [tilespmem:s25], [sflag:$0x3], $0x80, s11, s22, $0xb8;
	[tilespmem:$0x1D000] =	vst v63  }
0x4e: {  	_ =	swait.ge [sflag:s26], $0x4000  }
0x4f: {  	[sflag:s26] =	ssyncset.done $0x0  }
0x50: {  	s13 =	simm.s32 $0x14180;
	[sflag:s26] =	ssyncadd.s32 $0xFFFFC000  }
0x51: {  	[tilespmem:s25], [sflag:$0x2] =	stream.indirect.gather [hbm4b:s4+s22], $0x80, s13, s22, $0xb8;
	[tilespmem:$0x1D000] =	vst v63  }
0x52: {  	_ =	swait.ge [sflag:s20], $0x4000  }
0x53: {  	[sflag:s20] =	ssyncset.done $0x0  }
0x54: {  	s11 =	simm.s32 $0x14900;
	[sflag:s20] =	ssyncadd.s32 $0xFFFFC000  }
0x55: {  	[spmem:s1] =	stream.indirect.scatter.add.f32 [tilespmem:s23], [sflag:$0x3], $0x80, s11, s22, $0xb8;
	[tilespmem:$0x1D000] =	vst v63  }
0x56: {  	_ =	swait.ge [sflag:s26], $0x4000  }
0x57: {  	[sflag:s26] =	ssyncset.done $0x0  }
0x58: {  	s13 =	simm.s32 $0x14200;
	[sflag:s26] =	ssyncadd.s32 $0xFFFFC000  }
0x59: {  	[tilespmem:s23], [sflag:$0x2] =	stream.indirect.gather [hbm4b:s4+s22], $0x80, s13, s22, $0xb8;
	[tilespmem:$0x1D000] =	vst v63  }
0x5a: {  	_ =	swait.ge [sflag:s20], $0x4000  }
0x5b: {  	[sflag:s20] =	ssyncset.done $0x0  }
0x5c: {  	s11 =	simm.s32 $0x14980;
	[sflag:s20] =	ssyncadd.s32 $0xFFFFC000  }
0x5d: {  	[spmem:s1] =	stream.indirect.scatter.add.f32 [tilespmem:s25], [sflag:$0x3], $0x80, s11, s22, $0xb8;
	[tilespmem:$0x1D000] =	vst v63  }
0x5e: {  	_ =	swait.ge [sflag:s26], $0x4000  }
0x5f: {  	[sflag:s26] =	ssyncset.done $0x0  }
0x60: {  	s13 =	simm.s32 $0x14280;
	[sflag:s26] =	ssyncadd.s32 $0xFFFFC000  }
0x61: {  	[tilespmem:s25], [sflag:$0x2] =	stream.indirect.gather [hbm4b:s4+s22], $0x80, s13, s22, $0xb8;
	[tilespmem:$0x1D000] =	vst v63  }
0x62: {  	_ =	swait.ge [sflag:s20], $0x4000  }
0x63: {  	[sflag:s20] =	ssyncset.done $0x0  }
0x64: {  	s11 =	simm.s32 $0x14A00;
	[sflag:s20] =	ssyncadd.s32 $0xFFFFC000  }
0x65: {  	[spmem:s1] =	stream.indirect.scatter.add.f32 [tilespmem:s23], [sflag:$0x3], $0x80, s11, s22, $0xb8;
	[tilespmem:$0x1D000] =	vst v63  }
0x66: {  	_ =	swait.ge [sflag:s26], $0x4000  }
0x67: {  	[sflag:s26] =	ssyncset.done $0x0  }
0x68: {  	s13 =	simm.s32 $0x14300;
	[sflag:s26] =	ssyncadd.s32 $0xFFFFC000  }
0x69: {  	[tilespmem:s23], [sflag:$0x2] =	stream.indirect.gather [hbm4b:s4+s22], $0x80, s13, s22, $0xb8;
	[tilespmem:$0x1D000] =	vst v63  }
0x6a: {  	_ =	swait.ge [sflag:s20], $0x4000  }
0x6b: {  	[sflag:s20] =	ssyncset.done $0x0  }
0x6c: {  	s11 =	simm.s32 $0x14A80;
	[sflag:s20] =	ssyncadd.s32 $0xFFFFC000  }
0x6d: {  	[spmem:s1] =	stream.indirect.scatter.add.f32 [tilespmem:s25], [sflag:$0x3], $0x80, s11, s22, $0xb8;
	[tilespmem:$0x1D000] =	vst v63  }
0x6e: {  	_ =	swait.ge [sflag:s26], $0x4000  }
0x6f: {  	[sflag:s26] =	ssyncset.done $0x0  }
0x70: {  	s13 =	simm.s32 $0x14380;
	[sflag:s26] =	ssyncadd.s32 $0xFFFFC000  }
0x71: {  	[tilespmem:s25], [sflag:$0x2] =	stream.indirect.gather [hbm4b:s4+s22], $0x80, s13, s22, $0xb8;
	[tilespmem:$0x1D000] =	vst v63  }
0x72: {  	_ =	swait.ge [sflag:s20], $0x4000  }
0x73: {  	[sflag:s20] =	ssyncset.done $0x0  }
0x74: {  	s11 =	simm.s32 $0x14B00;
	[sflag:s20] =	ssyncadd.s32 $0xFFFFC000  }
0x75: {  	[spmem:s1] =	stream.indirect.scatter.add.f32 [tilespmem:s23], [sflag:$0x3], $0x80, s11, s22, $0xb8;
	[tilespmem:$0x1D000] =	vst v63  }
0x76: {  	_ =	swait.ge [sflag:s20], $0x4000  }
0x77: {  	[sflag:s20] =	ssyncset.done $0x0  }
0x78: {  	s13 =	simm.s32 $0x14B80;
	[sflag:s20] =	ssyncadd.s32 $0xFFFFC000  }
0x79: {  	[spmem:s1] =	stream.indirect.scatter.add.f32 [tilespmem:s25], [sflag:$0x3], $0x80, s13, s22, $0xb8;
	[tilespmem:$0x1D000] =	vst v63  }
0x7a: {  	_ =	swait.ge [sflag:s26], $0x4000  }
0x7b: {  	[sflag:s26] =	ssyncset.done $0x0  }
0x7c: {  	p0 =	seq.s32 s6, $0x0;
	[sflag:s26] =	ssyncadd.s32 $0xFFFFC000  }
0x7d: {  	s10 =	sadd.s32 @!p0 s6, s12;
	_ =	swait.ge [sflag:s26], $0x4000  }
0x7e: {  	s10 =	sadd.s32 @!p0 $0x500, s10;
	[sflag:s26] =	ssyncset.done $0x0  }
0x7f: {  	s11 =	simm.s32 @!p0 $0x0;
	s13 =	simm.s32 @!p0 $0x14000;
	[sflag:s26] =	ssyncadd.s32 $0xFFFFC000  }
0x80: {  	[tilespmem:s13], [sflag:$0x1] =	stream.linear.gather @!p0 [hbm4b:s10+s11], $0x400, $0x38;
	[tilespmem:$0x1D000] =	vst v63  }
0x81: {  	s10 =	sadd.s32 @!p0 s6, s14  }
0x82: {  	s13 =	simm.s32 @!p0 $0x14800;
	s10 =	sadd.s32 @!p0 $0x500, s10  }
0x83: {  	[tilespmem:s13], [sflag:$0x1] =	stream.linear.gather @!p0 [hbm4b:s10+s11], $0x400, $0x38;
	[tilespmem:$0x1D000] =	vst v63  }
0x84: {  	_ =	swait.ge [sflag:s21], $0x400  }
0x85: {  	[sflag:s21] =	ssyncset.done $0x0  }
0x86: {  	[sflag:s21] =	ssyncadd.s32 $0xFFFFFC00  }
0x87: {  	_ =	swait.ge [sflag:s21], $0x400  }
0x88: {  	[sflag:s21] =	ssyncset.done $0x0  }
0x89: {  	[sflag:s21] =	ssyncadd.s32 $0xFFFFFC00  }
0x8a: {  	[tilespmem:s23], [sflag:$0x2] =	stream.indirect.gather [hbm4b:s4+s22], $0x80, s18, s22, $0xb8;
	[tilespmem:$0x1D000] =	vst v63  }
0x8b: {  	_ = 	snop  }
0x8c: {  	[tilespmem:s25], [sflag:$0x2] =	stream.indirect.gather [hbm4b:s4+s22], $0x80, s8, s22, $0xb8;
	[tilespmem:$0x1D000] =	vst v63  }
0x8d: {  	_ =	swait.ge [sflag:s20], $0x4000  }
0x8e: {  	[sflag:s20] =	ssyncset.done $0x0  }
0x8f: {  	[sflag:s20] =	ssyncadd.s32 $0xFFFFC000  }
0x90: {  	[spmem:s1] =	stream.indirect.scatter.add.f32 [tilespmem:s23], [sflag:$0x3], $0x80, s19, s22, $0xb8;
	[tilespmem:$0x1D000] =	vst v63  }
0x91: {  	_ =	swait.ge [sflag:s26], $0x4000  }
0x92: {  	[sflag:s26] =	ssyncset.done $0x0  }
0x93: {  	[sflag:s26] =	ssyncadd.s32 $0xFFFFC000  }
0x94: {  	[tilespmem:s23], [sflag:$0x2] =	stream.indirect.gather [hbm4b:s4+s22], $0x80, s15, s22, $0xb8;
	[tilespmem:$0x1D000] =	vst v63  }
0x95: {  	_ =	swait.ge [sflag:s20], $0x4000  }
0x96: {  	[sflag:s20] =	ssyncset.done $0x0  }
0x97: {  	[sflag:s20] =	ssyncadd.s32 $0xFFFFC000  }
0x98: {  	[spmem:s1] =	stream.indirect.scatter.add.f32 [tilespmem:s25], [sflag:$0x3], $0x80, s16, s22, $0xb8;
	[tilespmem:$0x1D000] =	vst v63  }
0x99: {  	_ =	swait.ge [sflag:s26], $0x4000  }
0x9a: {  	[sflag:s26] =	ssyncset.done $0x0  }
0x9b: {  	[sflag:s26] =	ssyncadd.s32 $0xFFFFC000  }
0x9c: {  	[tilespmem:s25], [sflag:$0x2] =	stream.indirect.gather [hbm4b:s4+s22], $0x80, s24, s22, $0xb8;
	[tilespmem:$0x1D000] =	vst v63  }
0x9d: {  	_ =	swait.ge [sflag:s20], $0x4000  }
0x9e: {  	[sflag:s20] =	ssyncset.done $0x0  }
0x9f: {  	[sflag:s20] =	ssyncadd.s32 $0xFFFFC000  }
0xa0: {  	[spmem:s1] =	stream.indirect.scatter.add.f32 [tilespmem:s23], [sflag:$0x3], $0x80, s17, s22, $0xb8;
	[tilespmem:$0x1D000] =	vst v63  }
0xa1: {  	_ =	swait.ge [sflag:s26], $0x4000  }
0xa2: {  	[sflag:s26] =	ssyncset.done $0x0  }
0xa3: {  	[sflag:s26] =	ssyncadd.s32 $0xFFFFC000  }
0xa4: {  	[tilespmem:s23], [sflag:$0x2] =	stream.indirect.gather [hbm4b:s4+s22], $0x80, s28, s22, $0xb8;
	[tilespmem:$0x1D000] =	vst v63  }
0xa5: {  	_ =	swait.ge [sflag:s20], $0x4000  }
0xa6: {  	[sflag:s20] =	ssyncset.done $0x0  }
0xa7: {  	[sflag:s20] =	ssyncadd.s32 $0xFFFFC000  }
0xa8: {  	[spmem:s1] =	stream.indirect.scatter.add.f32 [tilespmem:s25], [sflag:$0x3], $0x80, s29, s22, $0xb8;
	[tilespmem:$0x1D000] =	vst v63  }
0xa9: {  	_ =	swait.ge [sflag:s26], $0x4000  }
0xaa: {  	[sflag:s26] =	ssyncset.done $0x0  }
0xab: {  	[sflag:s26] =	ssyncadd.s32 $0xFFFFC000  }
0xac: {  	[tilespmem:s25], [sflag:$0x2] =	stream.indirect.gather [hbm4b:s4+s22], $0x80, s30, s22, $0xb8;
	[tilespmem:$0x1D000] =	vst v63  }
0xad: {  	_ =	swait.ge [sflag:s20], $0x4000  }
0xae: {  	[sflag:s20] =	ssyncset.done $0x0  }
0xaf: {  	[sflag:s20] =	ssyncadd.s32 $0xFFFFC000  }
0xb0: {  	[spmem:s1] =	stream.indirect.scatter.add.f32 [tilespmem:s23], [sflag:$0x3], $0x80, s31, s22, $0xb8;
	[tilespmem:$0x1D000] =	vst v63  }
0xb1: {  	_ =	swait.ge [sflag:s26], $0x4000  }
0xb2: {  	[sflag:s26] =	ssyncset.done $0x0  }
0xb3: {  	[sflag:s26] =	ssyncadd.s32 $0xFFFFC000  }
0xb4: {  	[tilespmem:s23], [sflag:$0x2] =	stream.indirect.gather [hbm4b:s4+s22], $0x80, s0, s22, $0xb8;
	[tilespmem:$0x1D000] =	vst v63  }
0xb5: {  	_ =	swait.ge [sflag:s20], $0x4000  }
0xb6: {  	[sflag:s20] =	ssyncset.done $0x0  }
0xb7: {  	[sflag:s20] =	ssyncadd.s32 $0xFFFFC000  }
0xb8: {  	[spmem:s1] =	stream.indirect.scatter.add.f32 [tilespmem:s25], [sflag:$0x3], $0x80, s2, s22, $0xb8;
	[tilespmem:$0x1D000] =	vst v63  }
0xb9: {  	_ =	swait.ge [sflag:s26], $0x4000  }
0xba: {  	[sflag:s26] =	ssyncset.done $0x0  }
0xbb: {  	[sflag:s26] =	ssyncadd.s32 $0xFFFFC000  }
0xbc: {  	[tilespmem:s25], [sflag:$0x2] =	stream.indirect.gather [hbm4b:s4+s22], $0x80, s5, s22, $0xb8;
	[tilespmem:$0x1D000] =	vst v63  }
0xbd: {  	_ =	swait.ge [sflag:s20], $0x4000  }
0xbe: {  	[sflag:s20] =	ssyncset.done $0x0  }
0xbf: {  	[sflag:s20] =	ssyncadd.s32 $0xFFFFC000  }
0xc0: {  	[spmem:s1] =	stream.indirect.scatter.add.f32 [tilespmem:s23], [sflag:$0x3], $0x80, s7, s22, $0xb8;
	[tilespmem:$0x1D000] =	vst v63  }
0xc1: {  	_ =	swait.ge [sflag:s20], $0x4000  }
0xc2: {  	[sflag:s20] =	ssyncset.done $0x0  }
0xc3: {  	[sflag:s20] =	ssyncadd.s32 $0xFFFFC000  }
0xc4: {  	[spmem:s1] =	stream.indirect.scatter.add.f32 [tilespmem:s25], [sflag:$0x3], $0x80, s9, s22, $0xb8;
	[tilespmem:$0x1D000] =	vst v63  }
0xc5: {  	_ =	swait.ge [sflag:s26], $0x4000  }
.Ltmp2:
0xc6: {  	[sflag:s26] =	ssyncset.done $0x0;
	(pc) =	sbr.rel @p0 .LBB2_4-.Ltmp2, $4  }
0xc7: {  	[sflag:s26] =	ssyncadd.s32 $0xFFFFC000  }
0xc8: {  	_ =	swait.ge [sflag:s26], $0x4000  }
0xc9: {  	[sflag:s26] =	ssyncset.done $0x0  }
0xca: {  	[sflag:s26] =	ssyncadd.s32 $0xFFFFC000  }
.Ltmp3:
0xcb: {  	s10 =	sadd.s32 s6, s12;
	(pc) =	sbr.rel .LBB2_2-.Ltmp3, $4  }
0xcc: {  	s13 =	sadd.s32 s6, s14;
	s10 =	sadd.s32 $0x580, s10  }
0xcd: {  	[tilespmem:s18], [sflag:$0x1] =	stream.linear.gather [hbm4b:s10+s3], $0x400, $0x38;
	[tilespmem:$0x1D000] =	vst v63  }
0xce: {  	s6 =	sadd.s32 $0x100, s6;
	s10 =	sadd.s32 $0x580, s13  }
0xcf: {  	[tilespmem:s19], [sflag:$0x1] =	stream.linear.gather [hbm4b:s10+s3], $0x400, $0x38;
	[tilespmem:$0x1D000] =	vst v63  }
.LBB2_5:
0xd0: {  	_ =	sfence.sel $0x180000  }
0xd1: {  	[bflag:$0x0] =	sbarrier.arrive $0xFFFF  }
0xd2: {  	_ =	strace $0x90000047  }
0xd3: {  	s0 =	stileid.u32;
	[bflag:$0x2] =	sbarrier.arrive $0xFFFF  }
0xd4: {  	p0 =	sne.s32 s0, $0x0;
	s0 =	rddreg [dreg:$0x3]  }
0xd5: {  	s0 =	sadd.s32 @!p0 $0x100000, s0  }
0xd6: {  	[sflag:s0] =	ssyncadd.tile.s32 @!p0 $0x1;
	_ =	shalt  }
.Lfunc_end2:
_tile_overlayer_lowered:
.L_overlay_start_2:
0xd7: {  	(tag) =	ssettag $0x2  }
0xd8: {  	s0 =	rddreg [dreg:$0x0];
	s2 =	stileid.u32  }
0xd9: {  	s1 =	rddreg [dreg:$0x1];
	p0 =	sne.s32 s2, $0x0  }
0xda: {  	s3 =	rddreg [dreg:$0x2];
	[bflag:$0x3] =	sbarrier.arrive $0xFFFF;
	s2 =	simm.s32 @!p0 $0x1C04  }
0xdb: {  	[timem:s3], [sflag:s2] =	dma.local @!p0 [hbm:s0], s1  }
0xdc: {  	s0 =	simm.s32 @!p0 $0x4  }
0xdd: {  	_ =	swait.ge @!p0 [sflag:s0], s1  }
0xde: {  	s1 =	ssub.s32 @!p0 $0x0, s1;
	[sflag:s0] =	ssyncset.done @!p0 $0x0  }
0xdf: {  	[sflag:s0] =	ssyncadd.s32 @!p0 s1  }
0xe0: {  	[bflag:$0x3] =	sbarrier.arrive $0xFFFF  }
0xe1: {  	_ =	shalt  }

</sc_bundles>
